<compile_context>
chip_gen: v7x
topology: tpu7x:2x2x1
jax: 0.10.2.dev20260603
libtpu: 0.0.44.dev20260713+nightly
codegen_flags: <defaults>
</compile_context>

<pallas_src>
import functools

import jax
import jax.numpy as jnp
from jax import lax
from jax.experimental import pallas as pl
from jax.experimental.pallas import tpu as pltpu
from jax.experimental.pallas import tpu_sc as plsc

DIM = 33
D2 = DIM * DIM
D3 = DIM * DIM * DIM
LUT_PAD = ((D3 + 7) // 8) * 8
NC, NS, L = 2, 16, 16
NW = NC * NS
TR, TC_ = 8, 128
CPX = TR * TC_


def _make_sc_kernel(n_rows, H, W):
    n_px = H * W
    assert NW % (n_rows // 3) == 0
    w_per_img = NW // (n_rows // 3)
    px_per_w = n_px // w_per_img
    rows_per_w = px_per_w // W
    n_cg = W // TC_
    n_chunks = px_per_w // CPX
    assert n_chunks % 2 == 0

    mesh = plsc.VectorSubcoreMesh(
        core_axis_name="c", subcore_axis_name="s",
        num_cores=NC, num_subcores=NS)

    @functools.partial(
        pl.kernel,
        out_type=jax.ShapeDtypeStruct((n_rows, H, W), jnp.float32),
        mesh=mesh,
        scratch_types=[
            pltpu.VMEM((LUT_PAD,), jnp.float32),
            pltpu.VMEM((LUT_PAD,), jnp.float32),
            pltpu.VMEM((LUT_PAD,), jnp.float32),
            pltpu.VMEM((3, TR, TC_), jnp.float32),
            pltpu.VMEM((3, TR, TC_), jnp.float32),
            pltpu.VMEM((3, TR, TC_), jnp.float32),
            pltpu.VMEM((3, TR, TC_), jnp.float32),
            pltpu.SemaphoreType.DMA,
            pltpu.SemaphoreType.DMA,
            pltpu.SemaphoreType.DMA,
            pltpu.SemaphoreType.DMA,
        ],
        compiler_params=pltpu.CompilerParams(needs_layout_passes=False),
    )
    def sc_kernel(x_hbm, lut_hbm, out_hbm, lut0_v, lut1_v, lut2_v,
                  in0, in1, ob0, ob1, is0, is1, os0, os1):
        wid = lax.axis_index("s") * NC + lax.axis_index("c")
        img = wid // w_per_img
        row0 = img * 3
        h0 = (wid % w_per_img) * rows_per_w

        pltpu.sync_copy(lut_hbm.at[pl.ds(0, LUT_PAD)], lut0_v)
        pltpu.sync_copy(lut_hbm.at[pl.ds(LUT_PAD, LUT_PAD)], lut1_v)
        pltpu.sync_copy(lut_hbm.at[pl.ds(2 * LUT_PAD, LUT_PAD)], lut2_v)

        ins = (in0, in1)
        obs = (ob0, ob1)
        in_sems = (is0, is1)
        out_sems = (os0, os1)
        scale = jnp.float32(DIM - 1)

        def chunk_hw(ci):
            return h0 + (ci // n_cg) * TR, (ci % n_cg) * TC_

        def issue_in(ci, buf, sem):
            h, w = chunk_hw(ci)
            pltpu.async_copy(
                x_hbm.at[pl.ds(row0, 3), pl.ds(h, TR), pl.ds(w, TC_)],
                buf, sem)

        def wait_in(buf, sem):
            pltpu.make_async_copy(
                x_hbm.at[pl.ds(0, 3), pl.ds(0, TR), pl.ds(0, TC_)],
                buf, sem).wait()

        def issue_out(ci, buf, sem):
            h, w = chunk_hw(ci)
            pltpu.async_copy(
                buf,
                out_hbm.at[pl.ds(row0, 3), pl.ds(h, TR), pl.ds(w, TC_)],
                sem)

        def wait_out(buf, sem):
            pltpu.make_async_copy(
                buf,
                out_hbm.at[pl.ds(0, 3), pl.ds(0, TR), pl.ds(0, TC_)],
                sem).wait()

        def compute(xin_v, out_v):
            def do_vreg(r, w):
                def prep(v):
                    p = v * scale
                    i = p.astype(jnp.int32)
                    return i, p - i.astype(jnp.float32)

                ir, fr = prep(xin_v[0, r, pl.ds(w, L)])
                ig, fg = prep(xin_v[1, r, pl.ds(w, L)])
                ib, fb = prep(xin_v[2, r, pl.ds(w, L)])
                base = ib * D2 + ig * DIM + ir
                fr0 = 1.0 - fr
                acc0 = jnp.zeros((L,), jnp.float32)
                acc1 = jnp.zeros((L,), jnp.float32)
                acc2 = jnp.zeros((L,), jnp.float32)
                for db, wb in ((0, 1.0 - fb), (1, fb)):
                    for dg, wg in ((0, 1.0 - fg), (1, fg)):
                        wbg = wb * wg
                        w0 = wbg * fr0
                        w1 = wbg * fr
                        idx = base + (db * D2 + dg * DIM)
                        idx1 = idx + 1
                        for c, tab in ((0, lut0_v), (1, lut1_v),
                                       (2, lut2_v)):
                            v0 = plsc.load_gather(tab, [idx])
                            v1 = plsc.load_gather(tab, [idx1])
                            t = w0 * v0 + w1 * v1
                            if c == 0:
                                acc0 += t
                            elif c == 1:
                                acc1 += t
                            else:
                                acc2 += t
                out_v[0, r, pl.ds(w, L)] = acc0
                out_v[1, r, pl.ds(w, L)] = acc1
                out_v[2, r, pl.ds(w, L)] = acc2

            def vec_body(vi, _):
                do_vreg(vi // (TC_ // L), (vi % (TC_ // L)) * L)
                return 0

            lax.fori_loop(0, CPX // L, vec_body, 0)

        issue_in(0, in0, is0)

        def body2(ci2, _):
            for b in range(2):
                ci = ci2 * 2 + b

                @pl.when(ci + 1 < n_chunks)
                def _():
                    issue_in(ci + 1, ins[1 - b], in_sems[1 - b])

                wait_in(ins[b], in_sems[b])

                @pl.when(ci2 >= 1)
                def _():
                    wait_out(obs[b], out_sems[b])

                compute(ins[b], obs[b])
                issue_out(ci, obs[b], out_sems[b])
            return 0

        lax.fori_loop(0, n_chunks // 2, body2, 0)
        wait_out(ob0, os0)
        wait_out(ob1, os1)

    return sc_kernel


def kernel(x, LUT):
    B, C, H, W = x.shape
    xr = x.reshape(B * C, H, W)
    lut_ch = LUT.reshape(C, LUT.shape[1] ** 3)
    lut_pad = jnp.pad(lut_ch, ((0, 0), (0, LUT_PAD - lut_ch.shape[1])))
    lut_pad = lut_pad.reshape(C * LUT_PAD)
    out = _make_sc_kernel(B * C, H, W)(xr, lut_pad)
    return out.reshape(B, C, H, W)

# --- scband reference (transcript-rebuilt; emitter-appended) ---
"""Pipeline reference for scband-generator3-dlut-identity-86122684220302 (READ-ONLY COPY).

The authoritative reference and input builder live on the scoring server;
editing this copy changes nothing except your own understanding.
"""

import jax, jax.numpy as jnp
import numpy as np

DIM = 33

def _identity_lut(dim):
    lin = jnp.arange(dim, dtype=jnp.float32) / (dim - 1)
    # file layout: n = i*dim*dim + j*dim + k, channel0=r=k, channel1=g=j, channel2=b=i
    c0 = jnp.broadcast_to(lin[None, None, :], (dim, dim, dim))
    c1 = jnp.broadcast_to(lin[None, :, None], (dim, dim, dim))
    c2 = jnp.broadcast_to(lin[:, None, None], (dim, dim, dim))
    return jnp.stack([c0, c1, c2], axis=0)

def setup_inputs(seed: int = 0) -> dict:
    key = jax.random.key(seed)
    k1, _ = jax.random.split(key)
    x = jax.random.uniform(k1, (8, 3, 512, 512), dtype=jnp.float32)
    LUT = _identity_lut(DIM)
    return {"x": x, "LUT": LUT}

def reference(x, LUT):
    D = LUT.shape[1]
    pos = jnp.clip(x, 0.0, 1.0) * (D - 1)
    idx = jnp.clip(jnp.floor(pos).astype(jnp.int32), 0, D - 2)
    frac = pos - idx.astype(x.dtype)
    id_r, id_g, id_b = idx[:, 0], idx[:, 1], idx[:, 2]
    f_r, f_g, f_b = frac[:, 0], frac[:, 1], frac[:, 2]
    LUT_flat = LUT.reshape(3, -1)
    out = jnp.zeros_like(x)
    for db in (0, 1):
        wb = f_b if db else (1.0 - f_b)
        for dg in (0, 1):
            wg = f_g if dg else (1.0 - f_g)
            for dr in (0, 1):
                wr = f_r if dr else (1.0 - f_r)
                w = wr * wg * wb  # [B, H, W]
                flat_idx = ((id_b + db) * D + (id_g + dg)) * D + (id_r + dr)
                vals = jnp.take(LUT_flat, flat_idx.reshape(-1), axis=1)
                vals = vals.reshape(3, *flat_idx.shape)  # [3, B, H, W]
                vals = jnp.transpose(vals, (1, 0, 2, 3))  # [B, 3, H, W]
                out = out + w[:, None, :, :] * vals
    return out

if __name__ == "__main__":
    import jax
    _d = setup_inputs()
    print(jax.jit(kernel)(*tuple(_d.values())))

</pallas_src>

<mosaic_0001>
#map = affine_map<(d0, d1) -> (0, 0, 0)>
#map1 = affine_map<(d0, d1) -> (0)>
module attributes {stable_mosaic.version = 14 : i64} {
  func.func @sc_kernel(%arg0: i32, %arg1: i32, %arg2: memref<24x512x512xf32, #tpu.memory_space<hbm>>, %arg3: memref<107832xf32, #tpu.memory_space<hbm>>, %arg4: memref<24x512x512xf32, #tpu.memory_space<hbm>>, %arg5: memref<35944xf32, #tpu.memory_space<vmem>>, %arg6: memref<35944xf32, #tpu.memory_space<vmem>>, %arg7: memref<35944xf32, #tpu.memory_space<vmem>>, %arg8: memref<3x8x128xf32, #tpu.memory_space<vmem>>, %arg9: memref<3x8x128xf32, #tpu.memory_space<vmem>>, %arg10: memref<3x8x128xf32, #tpu.memory_space<vmem>>, %arg11: memref<3x8x128xf32, #tpu.memory_space<vmem>>, %arg12: memref<!tpu.dma_semaphore, #tpu.memory_space<semaphore_mem>>, %arg13: memref<!tpu.dma_semaphore, #tpu.memory_space<semaphore_mem>>, %arg14: memref<!tpu.dma_semaphore, #tpu.memory_space<semaphore_mem>>, %arg15: memref<!tpu.dma_semaphore, #tpu.memory_space<semaphore_mem>>) attributes {dimension_semantics = [#tpu.dimension_semantics<core_parallel>, #tpu.dimension_semantics<subcore_parallel>], iteration_bounds = array<i64: 2, 16>, scalar_prefetch = 0 : i64, scratch_operands = 11 : i64, tpu.core_type = #tpu.core_type<sc_vector_subcore>, window_params = [{transform_indices = #map}, {transform_indices = #map1}, {transform_indices = #map}]} {
    %mul3A = arith.constant 2 : i32
    %mul3A_0 = arith.muli %arg1, %mul3A : i32
    %add3A = arith.addi %mul3A_0, %arg0 : i32
    %jit3A = arith.constant 4 : i32
    %div3A = arith.divsi %add3A, %jit3A : i32
    %sign3A = arith.constant 0 : i32
    %sign3A_1 = arith.cmpi sgt, %add3A, %sign3A : i32
    %sign3A_2 = arith.extui %sign3A_1 : i1 to i32
    %sign3A_3 = arith.constant 0 : i32
    %sign3A_4 = arith.cmpi slt, %add3A, %sign3A_3 : i32
    %sign3A_5 = arith.extui %sign3A_4 : i1 to i32
    %sign3A_6 = arith.subi %sign3A_2, %sign3A_5 : i32
    %sign3A_7 = arith.constant 0 : i32
    %sign3A_8 = arith.cmpi sgt, %jit3A, %sign3A_7 : i32
    %sign3A_9 = arith.extui %sign3A_8 : i1 to i32
    %sign3A_10 = arith.constant 0 : i32
    %sign3A_11 = arith.cmpi slt, %jit3A, %sign3A_10 : i32
    %sign3A_12 = arith.extui %sign3A_11 : i1 to i32
    %sign3A_13 = arith.subi %sign3A_9, %sign3A_12 : i32
    %ne3A = arith.cmpi ne, %sign3A_6, %sign3A_13 : i32
    %rem3A = arith.remsi %add3A, %jit3A : i32
    %ne3A_14 = arith.constant 0 : i32
    %ne3A_15 = arith.cmpi ne, %rem3A, %ne3A_14 : i32
    %and3A = arith.andi %ne3A, %ne3A_15 : i1
    %sub3A = arith.constant 1 : i32
    %sub3A_16 = arith.subi %div3A, %sub3A : i32
    %select_n3A = arith.select %and3A, %sub3A_16, %div3A : i32
    %mul3A_17 = arith.constant 3 : i32
    %mul3A_18 = arith.muli %select_n3A, %mul3A_17 : i32
    %jit3A_19 = arith.constant 4 : i32
    %eq3A = arith.constant 0 : i32
    %eq3A_20 = arith.cmpi eq, %jit3A_19, %eq3A : i32
    %jit3A_21 = arith.constant 1 : i32
    %select_n3A_22 = arith.select %eq3A_20, %jit3A_21, %jit3A_19 : i32
    %rem3A_23 = arith.remsi %add3A, %select_n3A_22 : i32
    %ne3A_24 = arith.constant 0 : i32
    %ne3A_25 = arith.cmpi ne, %rem3A_23, %ne3A_24 : i32
    %lt3A = arith.constant 0 : i32
    %lt3A_26 = arith.cmpi slt, %rem3A_23, %lt3A : i32
    %lt3A_27 = arith.constant 0 : i32
    %lt3A_28 = arith.cmpi slt, %select_n3A_22, %lt3A_27 : i32
    %ne3A_29 = arith.xori %lt3A_26, %lt3A_28 : i1
    %and3A_30 = arith.andi %ne3A_29, %ne3A_25 : i1
    %add3A_31 = arith.addi %rem3A_23, %select_n3A_22 : i32
    %select_n3A_32 = arith.select %and3A_30, %add3A_31, %rem3A_23 : i32
    %mul3A_33 = arith.constant 128 : i32
    %mul3A_34 = arith.muli %select_n3A_32, %mul3A_33 : i32
    "tpu.region"() ({
      %run_scoped3A = tpu.sem_alloc : memref<!tpu.dma_semaphore, #tpu.memory_space<semaphore_mem>>
      %dma_start3A_62 = arith.constant 0 : i32
      %dma_start3A_63 = tpu.memref_slice %arg3[%dma_start3A_62] : memref<107832xf32, #tpu.memory_space<hbm>> -> memref<35944xf32, #tpu.memory_space<hbm>>
      %dma_start3A_64 = arith.constant 0 : i32
      %dma_start3A_65 = tpu.memref_slice %arg3[%dma_start3A_64] : memref<107832xf32, #tpu.memory_space<hbm>> -> memref<35944xf32, #tpu.memory_space<hbm>>
      tpu.enqueue_dma source(%dma_start3A_65 : memref<35944xf32, #tpu.memory_space<hbm>>) target(%arg5 : memref<35944xf32, #tpu.memory_space<vmem>>) target_semaphore(%run_scoped3A : memref<!tpu.dma_semaphore, #tpu.memory_space<semaphore_mem>>)
      %dma_wait3A_66 = arith.constant 0 : i32
      %dma_wait3A_67 = tpu.memref_slice %arg3[%dma_wait3A_66] : memref<107832xf32, #tpu.memory_space<hbm>> -> memref<35944xf32, #tpu.memory_space<hbm>>
      %dma_wait3A_68 = arith.constant 0 : i32
      %dma_wait3A_69 = tpu.memref_slice %arg3[%dma_wait3A_68] : memref<107832xf32, #tpu.memory_space<hbm>> -> memref<35944xf32, #tpu.memory_space<hbm>>
      tpu.wait_dma2 semaphore(%run_scoped3A : memref<!tpu.dma_semaphore, #tpu.memory_space<semaphore_mem>>) src(%dma_wait3A_69 : memref<35944xf32, #tpu.memory_space<hbm>>) dst(%arg5 : memref<35944xf32, #tpu.memory_space<vmem>>)
      tpu.yield
    }) : () -> ()
    "tpu.region"() ({
      %run_scoped3A = tpu.sem_alloc : memref<!tpu.dma_semaphore, #tpu.memory_space<semaphore_mem>>
      %dma_start3A_62 = arith.constant 35944 : i32
      %dma_start3A_63 = tpu.memref_slice %arg3[%dma_start3A_62] : memref<107832xf32, #tpu.memory_space<hbm>> -> memref<35944xf32, #tpu.memory_space<hbm>>
      %dma_start3A_64 = arith.constant 35944 : i32
      %dma_start3A_65 = tpu.memref_slice %arg3[%dma_start3A_64] : memref<107832xf32, #tpu.memory_space<hbm>> -> memref<35944xf32, #tpu.memory_space<hbm>>
      tpu.enqueue_dma source(%dma_start3A_65 : memref<35944xf32, #tpu.memory_space<hbm>>) target(%arg6 : memref<35944xf32, #tpu.memory_space<vmem>>) target_semaphore(%run_scoped3A : memref<!tpu.dma_semaphore, #tpu.memory_space<semaphore_mem>>)
      %dma_wait3A_66 = arith.constant 35944 : i32
      %dma_wait3A_67 = tpu.memref_slice %arg3[%dma_wait3A_66] : memref<107832xf32, #tpu.memory_space<hbm>> -> memref<35944xf32, #tpu.memory_space<hbm>>
      %dma_wait3A_68 = arith.constant 35944 : i32
      %dma_wait3A_69 = tpu.memref_slice %arg3[%dma_wait3A_68] : memref<107832xf32, #tpu.memory_space<hbm>> -> memref<35944xf32, #tpu.memory_space<hbm>>
      tpu.wait_dma2 semaphore(%run_scoped3A : memref<!tpu.dma_semaphore, #tpu.memory_space<semaphore_mem>>) src(%dma_wait3A_69 : memref<35944xf32, #tpu.memory_space<hbm>>) dst(%arg6 : memref<35944xf32, #tpu.memory_space<vmem>>)
      tpu.yield
    }) : () -> ()
    "tpu.region"() ({
      %run_scoped3A = tpu.sem_alloc : memref<!tpu.dma_semaphore, #tpu.memory_space<semaphore_mem>>
      %dma_start3A_62 = arith.constant 71888 : i32
      %dma_start3A_63 = tpu.memref_slice %arg3[%dma_start3A_62] : memref<107832xf32, #tpu.memory_space<hbm>> -> memref<35944xf32, #tpu.memory_space<hbm>>
      %dma_start3A_64 = arith.constant 71888 : i32
      %dma_start3A_65 = tpu.memref_slice %arg3[%dma_start3A_64] : memref<107832xf32, #tpu.memory_space<hbm>> -> memref<35944xf32, #tpu.memory_space<hbm>>
      tpu.enqueue_dma source(%dma_start3A_65 : memref<35944xf32, #tpu.memory_space<hbm>>) target(%arg7 : memref<35944xf32, #tpu.memory_space<vmem>>) target_semaphore(%run_scoped3A : memref<!tpu.dma_semaphore, #tpu.memory_space<semaphore_mem>>)
      %dma_wait3A_66 = arith.constant 71888 : i32
      %dma_wait3A_67 = tpu.memref_slice %arg3[%dma_wait3A_66] : memref<107832xf32, #tpu.memory_space<hbm>> -> memref<35944xf32, #tpu.memory_space<hbm>>
      %dma_wait3A_68 = arith.constant 71888 : i32
      %dma_wait3A_69 = tpu.memref_slice %arg3[%dma_wait3A_68] : memref<107832xf32, #tpu.memory_space<hbm>> -> memref<35944xf32, #tpu.memory_space<hbm>>
      tpu.wait_dma2 semaphore(%run_scoped3A : memref<!tpu.dma_semaphore, #tpu.memory_space<semaphore_mem>>) src(%dma_wait3A_69 : memref<35944xf32, #tpu.memory_space<hbm>>) dst(%arg7 : memref<35944xf32, #tpu.memory_space<vmem>>)
      tpu.yield
    }) : () -> ()
    %add3A_35 = arith.constant 0 : i32
    %add3A_36 = arith.addi %mul3A_34, %add3A_35 : i32
    %dma_start3A = arith.constant 0 : i32
    %dma_start3A_37 = tpu.memref_slice %arg2[%mul3A_18, %add3A_36, %dma_start3A] : memref<24x512x512xf32, #tpu.memory_space<hbm>> -> memref<3x8x128xf32, #tpu.memory_space<hbm>>
    %dma_start3A_38 = arith.constant 0 : i32
    %dma_start3A_39 = tpu.memref_slice %arg2[%mul3A_18, %add3A_36, %dma_start3A_38] : memref<24x512x512xf32, #tpu.memory_space<hbm>> -> memref<3x8x128xf32, #tpu.memory_space<hbm>>
    tpu.enqueue_dma source(%dma_start3A_39 : memref<3x8x128xf32, #tpu.memory_space<hbm>>) target(%arg8 : memref<3x8x128xf32, #tpu.memory_space<vmem>>) target_semaphore(%arg12 : memref<!tpu.dma_semaphore, #tpu.memory_space<semaphore_mem>>)
    %scan3A = arith.constant 3.200000e+01 : f32
    %scan3A_40 = arith.constant 0 : i32
    %scan3A_41 = arith.constant 0 : i32
    %scan3A_42 = arith.constant 32 : i32
    %scan3A_43 = arith.addi %scan3A_41, %scan3A_42 : i32
    %scan3A_44 = arith.constant 1 : i32
    %scan3A_45 = scf.for %scan3A_62 = %scan3A_41 to %scan3A_43 step %scan3A_44 iter_args(%scan3A_63 = %scan3A_40) -> (i32)  : i32 {
      %mul3A_64 = arith.constant 2 : i32
      %mul3A_65 = arith.muli %scan3A_62, %mul3A_64 : i32
      %add3A_66 = arith.constant 0 : i32
      %add3A_67 = arith.addi %mul3A_65, %add3A_66 : i32
      %add3A_68 = arith.constant 1 : i32
      %add3A_69 = arith.addi %add3A_67, %add3A_68 : i32
      %lt3A_70 = arith.constant 64 : i32
      %lt3A_71 = arith.cmpi slt, %add3A_69, %lt3A_70 : i32
      %convert_element_type3A = arith.extui %lt3A_71 : i1 to i32
      %cond3A = arith.constant 0 : i32
      %cond3A_72 = arith.cmpi ne, %convert_element_type3A, %cond3A : i32
      scf.if %cond3A_72 {
        %add3A_218 = arith.constant 1 : i32
        %add3A_219 = arith.addi %add3A_67, %add3A_218 : i32
        %jit3A_220 = arith.constant 4 : i32
        %div3A_221 = arith.divsi %add3A_219, %jit3A_220 : i32
        %sign3A_222 = arith.constant 0 : i32
        %sign3A_223 = arith.cmpi sgt, %add3A_219, %sign3A_222 : i32
        %sign3A_224 = arith.extui %sign3A_223 : i1 to i32
        %sign3A_225 = arith.constant 0 : i32
        %sign3A_226 = arith.cmpi slt, %add3A_219, %sign3A_225 : i32
        %sign3A_227 = arith.extui %sign3A_226 : i1 to i32
        %sign3A_228 = arith.subi %sign3A_224, %sign3A_227 : i32
        %sign3A_229 = arith.constant 0 : i32
        %sign3A_230 = arith.cmpi sgt, %jit3A_220, %sign3A_229 : i32
        %sign3A_231 = arith.extui %sign3A_230 : i1 to i32
        %sign3A_232 = arith.constant 0 : i32
        %sign3A_233 = arith.cmpi slt, %jit3A_220, %sign3A_232 : i32
        %sign3A_234 = arith.extui %sign3A_233 : i1 to i32
        %sign3A_235 = arith.subi %sign3A_231, %sign3A_234 : i32
        %ne3A_236 = arith.cmpi ne, %sign3A_228, %sign3A_235 : i32
        %rem3A_237 = arith.remsi %add3A_219, %jit3A_220 : i32
        %ne3A_238 = arith.constant 0 : i32
        %ne3A_239 = arith.cmpi ne, %rem3A_237, %ne3A_238 : i32
        %and3A_240 = arith.andi %ne3A_236, %ne3A_239 : i1
        %sub3A_241 = arith.constant 1 : i32
        %sub3A_242 = arith.subi %div3A_221, %sub3A_241 : i32
        %select_n3A_243 = arith.select %and3A_240, %sub3A_242, %div3A_221 : i32
        %mul3A_244 = arith.constant 8 : i32
        %mul3A_245 = arith.muli %select_n3A_243, %mul3A_244 : i32
        %add3A_246 = arith.addi %mul3A_34, %mul3A_245 : i32
        %jit3A_247 = arith.constant 4 : i32
        %eq3A_248 = arith.constant 0 : i32
        %eq3A_249 = arith.cmpi eq, %jit3A_247, %eq3A_248 : i32
        %jit3A_250 = arith.constant 1 : i32
        %select_n3A_251 = arith.select %eq3A_249, %jit3A_250, %jit3A_247 : i32
        %rem3A_252 = arith.remsi %add3A_219, %select_n3A_251 : i32
        %ne3A_253 = arith.constant 0 : i32
        %ne3A_254 = arith.cmpi ne, %rem3A_252, %ne3A_253 : i32
        %lt3A_255 = arith.constant 0 : i32
        %lt3A_256 = arith.cmpi slt, %rem3A_252, %lt3A_255 : i32
        %lt3A_257 = arith.constant 0 : i32
        %lt3A_258 = arith.cmpi slt, %select_n3A_251, %lt3A_257 : i32
        %ne3A_259 = arith.xori %lt3A_256, %lt3A_258 : i1
        %and3A_260 = arith.andi %ne3A_259, %ne3A_254 : i1
        %add3A_261 = arith.addi %rem3A_252, %select_n3A_251 : i32
        %select_n3A_262 = arith.select %and3A_260, %add3A_261, %rem3A_252 : i32
        %mul3A_263 = arith.constant 128 : i32
        %mul3A_264 = arith.muli %select_n3A_262, %mul3A_263 : i32
        %dma_start3A_265 = tpu.memref_slice %arg2[%mul3A_18, %add3A_246, %mul3A_264] : memref<24x512x512xf32, #tpu.memory_space<hbm>> -> memref<3x8x128xf32, #tpu.memory_space<hbm>>
        %dma_start3A_266 = tpu.memref_slice %arg2[%mul3A_18, %add3A_246, %mul3A_264] : memref<24x512x512xf32, #tpu.memory_space<hbm>> -> memref<3x8x128xf32, #tpu.memory_space<hbm>>
        tpu.enqueue_dma source(%dma_start3A_266 : memref<3x8x128xf32, #tpu.memory_space<hbm>>) target(%arg9 : memref<3x8x128xf32, #tpu.memory_space<vmem>>) target_semaphore(%arg13 : memref<!tpu.dma_semaphore, #tpu.memory_space<semaphore_mem>>)
      } else {
      }
      %dma_wait3A_73 = arith.constant 0 : i32
      %dma_wait3A_74 = arith.constant 0 : i32
      %dma_wait3A_75 = arith.constant 0 : i32
      %dma_wait3A_76 = tpu.memref_slice %arg2[%dma_wait3A_73, %dma_wait3A_74, %dma_wait3A_75] : memref<24x512x512xf32, #tpu.memory_space<hbm>> -> memref<3x8x128xf32, #tpu.memory_space<hbm>>
      %dma_wait3A_77 = arith.constant 0 : i32
      %dma_wait3A_78 = arith.constant 0 : i32
      %dma_wait3A_79 = arith.constant 0 : i32
      %dma_wait3A_80 = tpu.memref_slice %arg2[%dma_wait3A_77, %dma_wait3A_78, %dma_wait3A_79] : memref<24x512x512xf32, #tpu.memory_space<hbm>> -> memref<3x8x128xf32, #tpu.memory_space<hbm>>
      tpu.wait_dma2 semaphore(%arg12 : memref<!tpu.dma_semaphore, #tpu.memory_space<semaphore_mem>>) src(%dma_wait3A_80 : memref<3x8x128xf32, #tpu.memory_space<hbm>>) dst(%arg8 : memref<3x8x128xf32, #tpu.memory_space<vmem>>)
      %ge3A = arith.constant 1 : i32
      %ge3A_81 = arith.cmpi sge, %scan3A_62, %ge3A : i32
      %convert_element_type3A_82 = arith.extui %ge3A_81 : i1 to i32
      %cond3A_83 = arith.constant 0 : i32
      %cond3A_84 = arith.cmpi ne, %convert_element_type3A_82, %cond3A_83 : i32
      scf.if %cond3A_84 {
        %dma_wait3A_218 = arith.constant 0 : i32
        %dma_wait3A_219 = arith.constant 0 : i32
        %dma_wait3A_220 = arith.constant 0 : i32
        %dma_wait3A_221 = tpu.memref_slice %arg4[%dma_wait3A_218, %dma_wait3A_219, %dma_wait3A_220] : memref<24x512x512xf32, #tpu.memory_space<hbm>> -> memref<3x8x128xf32, #tpu.memory_space<hbm>>
        %dma_wait3A_222 = arith.constant 0 : i32
        %dma_wait3A_223 = arith.constant 0 : i32
        %dma_wait3A_224 = arith.constant 0 : i32
        %dma_wait3A_225 = tpu.memref_slice %arg4[%dma_wait3A_222, %dma_wait3A_223, %dma_wait3A_224] : memref<24x512x512xf32, #tpu.memory_space<hbm>> -> memref<3x8x128xf32, #tpu.memory_space<hbm>>
        tpu.wait_dma2 semaphore(%arg14 : memref<!tpu.dma_semaphore, #tpu.memory_space<semaphore_mem>>) src(%arg10 : memref<3x8x128xf32, #tpu.memory_space<vmem>>) dst(%dma_wait3A_225 : memref<3x8x128xf32, #tpu.memory_space<hbm>>)
      } else {
      }
      %scan3A_85 = arith.constant 0 : i32
      %scan3A_86 = arith.constant 0 : i32
      %scan3A_87 = arith.constant 64 : i32
      %scan3A_88 = arith.addi %scan3A_86, %scan3A_87 : i32
      %scan3A_89 = arith.constant 1 : i32
      %scan3A_90 = scf.for %scan3A_218 = %scan3A_86 to %scan3A_88 step %scan3A_89 iter_args(%scan3A_219 = %scan3A_85) -> (i32)  : i32 {
        %jit3A_220 = arith.constant 8 : i32
        %div3A_221 = arith.divsi %scan3A_218, %jit3A_220 : i32
        %sign3A_222 = arith.constant 0 : i32
        %sign3A_223 = arith.cmpi sgt, %scan3A_218, %sign3A_222 : i32
        %sign3A_224 = arith.extui %sign3A_223 : i1 to i32
        %sign3A_225 = arith.constant 0 : i32
        %sign3A_226 = arith.cmpi slt, %scan3A_218, %sign3A_225 : i32
        %sign3A_227 = arith.extui %sign3A_226 : i1 to i32
        %sign3A_228 = arith.subi %sign3A_224, %sign3A_227 : i32
        %sign3A_229 = arith.constant 0 : i32
        %sign3A_230 = arith.cmpi sgt, %jit3A_220, %sign3A_229 : i32
        %sign3A_231 = arith.extui %sign3A_230 : i1 to i32
        %sign3A_232 = arith.constant 0 : i32
        %sign3A_233 = arith.cmpi slt, %jit3A_220, %sign3A_232 : i32
        %sign3A_234 = arith.extui %sign3A_233 : i1 to i32
        %sign3A_235 = arith.subi %sign3A_231, %sign3A_234 : i32
        %ne3A_236 = arith.cmpi ne, %sign3A_228, %sign3A_235 : i32
        %rem3A_237 = arith.remsi %scan3A_218, %jit3A_220 : i32
        %ne3A_238 = arith.constant 0 : i32
        %ne3A_239 = arith.cmpi ne, %rem3A_237, %ne3A_238 : i32
        %and3A_240 = arith.andi %ne3A_236, %ne3A_239 : i1
        %sub3A_241 = arith.constant 1 : i32
        %sub3A_242 = arith.subi %div3A_221, %sub3A_241 : i32
        %select_n3A_243 = arith.select %and3A_240, %sub3A_242, %div3A_221 : i32
        %jit3A_244 = arith.constant 8 : i32
        %eq3A_245 = arith.constant 0 : i32
        %eq3A_246 = arith.cmpi eq, %jit3A_244, %eq3A_245 : i32
        %jit3A_247 = arith.constant 1 : i32
        %select_n3A_248 = arith.select %eq3A_246, %jit3A_247, %jit3A_244 : i32
        %rem3A_249 = arith.remsi %scan3A_218, %select_n3A_248 : i32
        %ne3A_250 = arith.constant 0 : i32
        %ne3A_251 = arith.cmpi ne, %rem3A_249, %ne3A_250 : i32
        %lt3A_252 = arith.constant 0 : i32
        %lt3A_253 = arith.cmpi slt, %rem3A_249, %lt3A_252 : i32
        %lt3A_254 = arith.constant 0 : i32
        %lt3A_255 = arith.cmpi slt, %select_n3A_248, %lt3A_254 : i32
        %ne3A_256 = arith.xori %lt3A_253, %lt3A_255 : i1
        %and3A_257 = arith.andi %ne3A_256, %ne3A_251 : i1
        %add3A_258 = arith.addi %rem3A_249, %select_n3A_248 : i32
        %select_n3A_259 = arith.select %and3A_257, %add3A_258, %rem3A_249 : i32
        %mul3A_260 = arith.constant 16 : i32
        %mul3A_261 = arith.muli %select_n3A_259, %mul3A_260 : i32
        %get3A = arith.constant 0 : i32
        %get3A_262 = arith.index_cast %get3A : i32 to index
        %get3A_263 = arith.index_cast %select_n3A_243 : i32 to index
        %get3A_264 = arith.index_cast %mul3A_261 : i32 to index
        %get3A_265 = tpu.vector_load %arg8[%get3A_262, %get3A_263, %get3A_264] {strides = array<i32>} : memref<3x8x128xf32, #tpu.memory_space<vmem>>, vector<16xf32>,
        %mul3A_266 = vector.broadcast %scan3A : f32 to vector<16xf32>
        %mul3A_267 = arith.mulf %get3A_265, %mul3A_266 : vector<16xf32>
        %convert_element_type3A_268 = arith.fptosi %mul3A_267 : vector<16xf32> to vector<16xi32>
        %convert_element_type3A_269 = arith.sitofp %convert_element_type3A_268 : vector<16xi32> to vector<16xf32>
        %sub3A_270 = arith.subf %mul3A_267, %convert_element_type3A_269 : vector<16xf32>
        %get3A_271 = arith.constant 1 : i32
        %get3A_272 = arith.index_cast %get3A_271 : i32 to index
        %get3A_273 = arith.index_cast %select_n3A_243 : i32 to index
        %get3A_274 = arith.index_cast %mul3A_261 : i32 to index
        %get3A_275 = tpu.vector_load %arg8[%get3A_272, %get3A_273, %get3A_274] {strides = array<i32>} : memref<3x8x128xf32, #tpu.memory_space<vmem>>, vector<16xf32>,
        %mul3A_276 = vector.broadcast %scan3A : f32 to vector<16xf32>
        %mul3A_277 = arith.mulf %get3A_275, %mul3A_276 : vector<16xf32>
        %convert_element_type3A_278 = arith.fptosi %mul3A_277 : vector<16xf32> to vector<16xi32>
        %convert_element_type3A_279 = arith.sitofp %convert_element_type3A_278 : vector<16xi32> to vector<16xf32>
        %sub3A_280 = arith.subf %mul3A_277, %convert_element_type3A_279 : vector<16xf32>
        %get3A_281 = arith.constant 2 : i32
        %get3A_282 = arith.index_cast %get3A_281 : i32 to index
        %get3A_283 = arith.index_cast %select_n3A_243 : i32 to index
        %get3A_284 = arith.index_cast %mul3A_261 : i32 to index
        %get3A_285 = tpu.vector_load %arg8[%get3A_282, %get3A_283, %get3A_284] {strides = array<i32>} : memref<3x8x128xf32, #tpu.memory_space<vmem>>, vector<16xf32>,
        %mul3A_286 = vector.broadcast %scan3A : f32 to vector<16xf32>
        %mul3A_287 = arith.mulf %get3A_285, %mul3A_286 : vector<16xf32>
        %convert_element_type3A_288 = arith.fptosi %mul3A_287 : vector<16xf32> to vector<16xi32>
        %convert_element_type3A_289 = arith.sitofp %convert_element_type3A_288 : vector<16xi32> to vector<16xf32>
        %sub3A_290 = arith.subf %mul3A_287, %convert_element_type3A_289 : vector<16xf32>
        %mul3A_291 = arith.constant 1089 : i32
        %mul3A_292 = vector.broadcast %mul3A_291 : i32 to vector<16xi32>
        %mul3A_293 = arith.muli %convert_element_type3A_288, %mul3A_292 : vector<16xi32>
        %mul3A_294 = arith.constant 33 : i32
        %mul3A_295 = vector.broadcast %mul3A_294 : i32 to vector<16xi32>
        %mul3A_296 = arith.muli %convert_element_type3A_278, %mul3A_295 : vector<16xi32>
        %add3A_297 = arith.addi %mul3A_293, %mul3A_296 : vector<16xi32>
        %add3A_298 = arith.addi %add3A_297, %convert_element_type3A_268 : vector<16xi32>
        %sub3A_299 = arith.constant 1.000000e+00 : f32
        %sub3A_300 = vector.broadcast %sub3A_299 : f32 to vector<16xf32>
        %sub3A_301 = arith.subf %sub3A_300, %sub3A_270 : vector<16xf32>
        %broadcast_in_dim3A = arith.constant 0.000000e+00 : f32
        %broadcast_in_dim3A_302 = vector.broadcast %broadcast_in_dim3A : f32 to vector<16xf32>
        %broadcast_in_dim3A_303 = arith.constant 0.000000e+00 : f32
        %broadcast_in_dim3A_304 = vector.broadcast %broadcast_in_dim3A_303 : f32 to vector<16xf32>
        %broadcast_in_dim3A_305 = arith.constant 0.000000e+00 : f32
        %broadcast_in_dim3A_306 = vector.broadcast %broadcast_in_dim3A_305 : f32 to vector<16xf32>
        %sub3A_307 = arith.constant 1.000000e+00 : f32
        %sub3A_308 = vector.broadcast %sub3A_307 : f32 to vector<16xf32>
        %sub3A_309 = arith.subf %sub3A_308, %sub3A_290 : vector<16xf32>
        %sub3A_310 = arith.constant 1.000000e+00 : f32
        %sub3A_311 = vector.broadcast %sub3A_310 : f32 to vector<16xf32>
        %sub3A_312 = arith.subf %sub3A_311, %sub3A_280 : vector<16xf32>
        %mul3A_313 = arith.mulf %sub3A_309, %sub3A_312 : vector<16xf32>
        %mul3A_314 = arith.mulf %mul3A_313, %sub3A_301 : vector<16xf32>
        %mul3A_315 = arith.mulf %mul3A_313, %sub3A_270 : vector<16xf32>
        %add3A_316 = arith.constant 0 : i32
        %add3A_317 = vector.broadcast %add3A_316 : i32 to vector<16xi32>
        %add3A_318 = arith.addi %add3A_298, %add3A_317 : vector<16xi32>
        %add3A_319 = arith.constant 1 : i32
        %add3A_320 = vector.broadcast %add3A_319 : i32 to vector<16xi32>
        %add3A_321 = arith.addi %add3A_318, %add3A_320 : vector<16xi32>
        %gather3A = tpu.vector_load_idx %arg5[%add3A_318] : memref<35944xf32, #tpu.memory_space<vmem>>[vector<16xi32>], vector<16xf32>,
        %gather3A_322 = tpu.vector_load_idx %arg5[%add3A_321] : memref<35944xf32, #tpu.memory_space<vmem>>[vector<16xi32>], vector<16xf32>,
        %mul3A_323 = arith.mulf %mul3A_314, %gather3A : vector<16xf32>
        %mul3A_324 = arith.mulf %mul3A_315, %gather3A_322 : vector<16xf32>
        %add3A_325 = arith.addf %mul3A_323, %mul3A_324 : vector<16xf32>
        %add3A_326 = arith.addf %broadcast_in_dim3A_302, %add3A_325 : vector<16xf32>
        %gather3A_327 = tpu.vector_load_idx %arg6[%add3A_318] : memref<35944xf32, #tpu.memory_space<vmem>>[vector<16xi32>], vector<16xf32>,
        %gather3A_328 = tpu.vector_load_idx %arg6[%add3A_321] : memref<35944xf32, #tpu.memory_space<vmem>>[vector<16xi32>], vector<16xf32>,
        %mul3A_329 = arith.mulf %mul3A_314, %gather3A_327 : vector<16xf32>
        %mul3A_330 = arith.mulf %mul3A_315, %gather3A_328 : vector<16xf32>
        %add3A_331 = arith.addf %mul3A_329, %mul3A_330 : vector<16xf32>
        %add3A_332 = arith.addf %broadcast_in_dim3A_304, %add3A_331 : vector<16xf32>
        %gather3A_333 = tpu.vector_load_idx %arg7[%add3A_318] : memref<35944xf32, #tpu.memory_space<vmem>>[vector<16xi32>], vector<16xf32>,
        %gather3A_334 = tpu.vector_load_idx %arg7[%add3A_321] : memref<35944xf32, #tpu.memory_space<vmem>>[vector<16xi32>], vector<16xf32>,
        %mul3A_335 = arith.mulf %mul3A_314, %gather3A_333 : vector<16xf32>
        %mul3A_336 = arith.mulf %mul3A_315, %gather3A_334 : vector<16xf32>
        %add3A_337 = arith.addf %mul3A_335, %mul3A_336 : vector<16xf32>
        %add3A_338 = arith.addf %broadcast_in_dim3A_306, %add3A_337 : vector<16xf32>
        %mul3A_339 = arith.mulf %sub3A_309, %sub3A_280 : vector<16xf32>
        %mul3A_340 = arith.mulf %mul3A_339, %sub3A_301 : vector<16xf32>
        %mul3A_341 = arith.mulf %mul3A_339, %sub3A_270 : vector<16xf32>
        %add3A_342 = arith.constant 33 : i32
        %add3A_343 = vector.broadcast %add3A_342 : i32 to vector<16xi32>
        %add3A_344 = arith.addi %add3A_298, %add3A_343 : vector<16xi32>
        %add3A_345 = arith.constant 1 : i32
        %add3A_346 = vector.broadcast %add3A_345 : i32 to vector<16xi32>
        %add3A_347 = arith.addi %add3A_344, %add3A_346 : vector<16xi32>
        %gather3A_348 = tpu.vector_load_idx %arg5[%add3A_344] : memref<35944xf32, #tpu.memory_space<vmem>>[vector<16xi32>], vector<16xf32>,
        %gather3A_349 = tpu.vector_load_idx %arg5[%add3A_347] : memref<35944xf32, #tpu.memory_space<vmem>>[vector<16xi32>], vector<16xf32>,
        %mul3A_350 = arith.mulf %mul3A_340, %gather3A_348 : vector<16xf32>
        %mul3A_351 = arith.mulf %mul3A_341, %gather3A_349 : vector<16xf32>
        %add3A_352 = arith.addf %mul3A_350, %mul3A_351 : vector<16xf32>
        %add3A_353 = arith.addf %add3A_326, %add3A_352 : vector<16xf32>
        %gather3A_354 = tpu.vector_load_idx %arg6[%add3A_344] : memref<35944xf32, #tpu.memory_space<vmem>>[vector<16xi32>], vector<16xf32>,
        %gather3A_355 = tpu.vector_load_idx %arg6[%add3A_347] : memref<35944xf32, #tpu.memory_space<vmem>>[vector<16xi32>], vector<16xf32>,
        %mul3A_356 = arith.mulf %mul3A_340, %gather3A_354 : vector<16xf32>
        %mul3A_357 = arith.mulf %mul3A_341, %gather3A_355 : vector<16xf32>
        %add3A_358 = arith.addf %mul3A_356, %mul3A_357 : vector<16xf32>
        %add3A_359 = arith.addf %add3A_332, %add3A_358 : vector<16xf32>
        %gather3A_360 = tpu.vector_load_idx %arg7[%add3A_344] : memref<35944xf32, #tpu.memory_space<vmem>>[vector<16xi32>], vector<16xf32>,
        %gather3A_361 = tpu.vector_load_idx %arg7[%add3A_347] : memref<35944xf32, #tpu.memory_space<vmem>>[vector<16xi32>], vector<16xf32>,
        %mul3A_362 = arith.mulf %mul3A_340, %gather3A_360 : vector<16xf32>
        %mul3A_363 = arith.mulf %mul3A_341, %gather3A_361 : vector<16xf32>
        %add3A_364 = arith.addf %mul3A_362, %mul3A_363 : vector<16xf32>
        %add3A_365 = arith.addf %add3A_338, %add3A_364 : vector<16xf32>
        %sub3A_366 = arith.constant 1.000000e+00 : f32
        %sub3A_367 = vector.broadcast %sub3A_366 : f32 to vector<16xf32>
        %sub3A_368 = arith.subf %sub3A_367, %sub3A_280 : vector<16xf32>
        %mul3A_369 = arith.mulf %sub3A_290, %sub3A_368 : vector<16xf32>
        %mul3A_370 = arith.mulf %mul3A_369, %sub3A_301 : vector<16xf32>
        %mul3A_371 = arith.mulf %mul3A_369, %sub3A_270 : vector<16xf32>
        %add3A_372 = arith.constant 1089 : i32
        %add3A_373 = vector.broadcast %add3A_372 : i32 to vector<16xi32>
        %add3A_374 = arith.addi %add3A_298, %add3A_373 : vector<16xi32>
        %add3A_375 = arith.constant 1 : i32
        %add3A_376 = vector.broadcast %add3A_375 : i32 to vector<16xi32>
        %add3A_377 = arith.addi %add3A_374, %add3A_376 : vector<16xi32>
        %gather3A_378 = tpu.vector_load_idx %arg5[%add3A_374] : memref<35944xf32, #tpu.memory_space<vmem>>[vector<16xi32>], vector<16xf32>,
        %gather3A_379 = tpu.vector_load_idx %arg5[%add3A_377] : memref<35944xf32, #tpu.memory_space<vmem>>[vector<16xi32>], vector<16xf32>,
        %mul3A_380 = arith.mulf %mul3A_370, %gather3A_378 : vector<16xf32>
        %mul3A_381 = arith.mulf %mul3A_371, %gather3A_379 : vector<16xf32>
        %add3A_382 = arith.addf %mul3A_380, %mul3A_381 : vector<16xf32>
        %add3A_383 = arith.addf %add3A_353, %add3A_382 : vector<16xf32>
        %gather3A_384 = tpu.vector_load_idx %arg6[%add3A_374] : memref<35944xf32, #tpu.memory_space<vmem>>[vector<16xi32>], vector<16xf32>,
        %gather3A_385 = tpu.vector_load_idx %arg6[%add3A_377] : memref<35944xf32, #tpu.memory_space<vmem>>[vector<16xi32>], vector<16xf32>,
        %mul3A_386 = arith.mulf %mul3A_370, %gather3A_384 : vector<16xf32>
        %mul3A_387 = arith.mulf %mul3A_371, %gather3A_385 : vector<16xf32>
        %add3A_388 = arith.addf %mul3A_386, %mul3A_387 : vector<16xf32>
        %add3A_389 = arith.addf %add3A_359, %add3A_388 : vector<16xf32>
        %gather3A_390 = tpu.vector_load_idx %arg7[%add3A_374] : memref<35944xf32, #tpu.memory_space<vmem>>[vector<16xi32>], vector<16xf32>,
        %gather3A_391 = tpu.vector_load_idx %arg7[%add3A_377] : memref<35944xf32, #tpu.memory_space<vmem>>[vector<16xi32>], vector<16xf32>,
        %mul3A_392 = arith.mulf %mul3A_370, %gather3A_390 : vector<16xf32>
        %mul3A_393 = arith.mulf %mul3A_371, %gather3A_391 : vector<16xf32>
        %add3A_394 = arith.addf %mul3A_392, %mul3A_393 : vector<16xf32>
        %add3A_395 = arith.addf %add3A_365, %add3A_394 : vector<16xf32>
        %mul3A_396 = arith.mulf %sub3A_290, %sub3A_280 : vector<16xf32>
        %mul3A_397 = arith.mulf %mul3A_396, %sub3A_301 : vector<16xf32>
        %mul3A_398 = arith.mulf %mul3A_396, %sub3A_270 : vector<16xf32>
        %add3A_399 = arith.constant 1122 : i32
        %add3A_400 = vector.broadcast %add3A_399 : i32 to vector<16xi32>
        %add3A_401 = arith.addi %add3A_298, %add3A_400 : vector<16xi32>
        %add3A_402 = arith.constant 1 : i32
        %add3A_403 = vector.broadcast %add3A_402 : i32 to vector<16xi32>
        %add3A_404 = arith.addi %add3A_401, %add3A_403 : vector<16xi32>
        %gather3A_405 = tpu.vector_load_idx %arg5[%add3A_401] : memref<35944xf32, #tpu.memory_space<vmem>>[vector<16xi32>], vector<16xf32>,
        %gather3A_406 = tpu.vector_load_idx %arg5[%add3A_404] : memref<35944xf32, #tpu.memory_space<vmem>>[vector<16xi32>], vector<16xf32>,
        %mul3A_407 = arith.mulf %mul3A_397, %gather3A_405 : vector<16xf32>
        %mul3A_408 = arith.mulf %mul3A_398, %gather3A_406 : vector<16xf32>
        %add3A_409 = arith.addf %mul3A_407, %mul3A_408 : vector<16xf32>
        %add3A_410 = arith.addf %add3A_383, %add3A_409 : vector<16xf32>
        %gather3A_411 = tpu.vector_load_idx %arg6[%add3A_401] : memref<35944xf32, #tpu.memory_space<vmem>>[vector<16xi32>], vector<16xf32>,
        %gather3A_412 = tpu.vector_load_idx %arg6[%add3A_404] : memref<35944xf32, #tpu.memory_space<vmem>>[vector<16xi32>], vector<16xf32>,
        %mul3A_413 = arith.mulf %mul3A_397, %gather3A_411 : vector<16xf32>
        %mul3A_414 = arith.mulf %mul3A_398, %gather3A_412 : vector<16xf32>
        %add3A_415 = arith.addf %mul3A_413, %mul3A_414 : vector<16xf32>
        %add3A_416 = arith.addf %add3A_389, %add3A_415 : vector<16xf32>
        %gather3A_417 = tpu.vector_load_idx %arg7[%add3A_401] : memref<35944xf32, #tpu.memory_space<vmem>>[vector<16xi32>], vector<16xf32>,
        %gather3A_418 = tpu.vector_load_idx %arg7[%add3A_404] : memref<35944xf32, #tpu.memory_space<vmem>>[vector<16xi32>], vector<16xf32>,
        %mul3A_419 = arith.mulf %mul3A_397, %gather3A_417 : vector<16xf32>
        %mul3A_420 = arith.mulf %mul3A_398, %gather3A_418 : vector<16xf32>
        %add3A_421 = arith.addf %mul3A_419, %mul3A_420 : vector<16xf32>
        %add3A_422 = arith.addf %add3A_395, %add3A_421 : vector<16xf32>
        %swap3A = arith.constant 0 : i32
        %swap3A_423 = arith.index_cast %swap3A : i32 to index
        %swap3A_424 = arith.index_cast %select_n3A_243 : i32 to index
        %swap3A_425 = arith.index_cast %mul3A_261 : i32 to index
        %swap3A_426 = tpu.vector_load %arg10[%swap3A_423, %swap3A_424, %swap3A_425] {strides = array<i32>} : memref<3x8x128xf32, #tpu.memory_space<vmem>>, vector<16xf32>,
        tpu.vector_store %arg10[%swap3A_423, %swap3A_424, %swap3A_425], %add3A_410 {strides = array<i32>} : memref<3x8x128xf32, #tpu.memory_space<vmem>>, vector<16xf32>,
        %swap3A_427 = arith.constant 1 : i32
        %swap3A_428 = arith.index_cast %swap3A_427 : i32 to index
        %swap3A_429 = arith.index_cast %select_n3A_243 : i32 to index
        %swap3A_430 = arith.index_cast %mul3A_261 : i32 to index
        %swap3A_431 = tpu.vector_load %arg10[%swap3A_428, %swap3A_429, %swap3A_430] {strides = array<i32>} : memref<3x8x128xf32, #tpu.memory_space<vmem>>, vector<16xf32>,
        tpu.vector_store %arg10[%swap3A_428, %swap3A_429, %swap3A_430], %add3A_416 {strides = array<i32>} : memref<3x8x128xf32, #tpu.memory_space<vmem>>, vector<16xf32>,
        %swap3A_432 = arith.constant 2 : i32
        %swap3A_433 = arith.index_cast %swap3A_432 : i32 to index
        %swap3A_434 = arith.index_cast %select_n3A_243 : i32 to index
        %swap3A_435 = arith.index_cast %mul3A_261 : i32 to index
        %swap3A_436 = tpu.vector_load %arg10[%swap3A_433, %swap3A_434, %swap3A_435] {strides = array<i32>} : memref<3x8x128xf32, #tpu.memory_space<vmem>>, vector<16xf32>,
        tpu.vector_store %arg10[%swap3A_433, %swap3A_434, %swap3A_435], %add3A_422 {strides = array<i32>} : memref<3x8x128xf32, #tpu.memory_space<vmem>>, vector<16xf32>,
        %scan3A_437 = arith.constant 0 : i32
        scf.yield %scan3A_437 : i32
      }
      %scan3A_91 = arith.constant 64 : i32
      %jit3A_92 = arith.constant 4 : i32
      %div3A_93 = arith.divsi %add3A_67, %jit3A_92 : i32
      %sign3A_94 = arith.constant 0 : i32
      %sign3A_95 = arith.cmpi sgt, %add3A_67, %sign3A_94 : i32
      %sign3A_96 = arith.extui %sign3A_95 : i1 to i32
      %sign3A_97 = arith.constant 0 : i32
      %sign3A_98 = arith.cmpi slt, %add3A_67, %sign3A_97 : i32
      %sign3A_99 = arith.extui %sign3A_98 : i1 to i32
      %sign3A_100 = arith.subi %sign3A_96, %sign3A_99 : i32
      %sign3A_101 = arith.constant 0 : i32
      %sign3A_102 = arith.cmpi sgt, %jit3A_92, %sign3A_101 : i32
      %sign3A_103 = arith.extui %sign3A_102 : i1 to i32
      %sign3A_104 = arith.constant 0 : i32
      %sign3A_105 = arith.cmpi slt, %jit3A_92, %sign3A_104 : i32
      %sign3A_106 = arith.extui %sign3A_105 : i1 to i32
      %sign3A_107 = arith.subi %sign3A_103, %sign3A_106 : i32
      %ne3A_108 = arith.cmpi ne, %sign3A_100, %sign3A_107 : i32
      %rem3A_109 = arith.remsi %add3A_67, %jit3A_92 : i32
      %ne3A_110 = arith.constant 0 : i32
      %ne3A_111 = arith.cmpi ne, %rem3A_109, %ne3A_110 : i32
      %and3A_112 = arith.andi %ne3A_108, %ne3A_111 : i1
      %sub3A_113 = arith.constant 1 : i32
      %sub3A_114 = arith.subi %div3A_93, %sub3A_113 : i32
      %select_n3A_115 = arith.select %and3A_112, %sub3A_114, %div3A_93 : i32
      %mul3A_116 = arith.constant 8 : i32
      %mul3A_117 = arith.muli %select_n3A_115, %mul3A_116 : i32
      %add3A_118 = arith.addi %mul3A_34, %mul3A_117 : i32
      %jit3A_119 = arith.constant 4 : i32
      %eq3A_120 = arith.constant 0 : i32
      %eq3A_121 = arith.cmpi eq, %jit3A_119, %eq3A_120 : i32
      %jit3A_122 = arith.constant 1 : i32
      %select_n3A_123 = arith.select %eq3A_121, %jit3A_122, %jit3A_119 : i32
      %rem3A_124 = arith.remsi %add3A_67, %select_n3A_123 : i32
      %ne3A_125 = arith.constant 0 : i32
      %ne3A_126 = arith.cmpi ne, %rem3A_124, %ne3A_125 : i32
      %lt3A_127 = arith.constant 0 : i32
      %lt3A_128 = arith.cmpi slt, %rem3A_124, %lt3A_127 : i32
      %lt3A_129 = arith.constant 0 : i32
      %lt3A_130 = arith.cmpi slt, %select_n3A_123, %lt3A_129 : i32
      %ne3A_131 = arith.xori %lt3A_128, %lt3A_130 : i1
      %and3A_132 = arith.andi %ne3A_131, %ne3A_126 : i1
      %add3A_133 = arith.addi %rem3A_124, %select_n3A_123 : i32
      %select_n3A_134 = arith.select %and3A_132, %add3A_133, %rem3A_124 : i32
      %mul3A_135 = arith.constant 128 : i32
      %mul3A_136 = arith.muli %select_n3A_134, %mul3A_135 : i32
      %dma_start3A_137 = tpu.memref_slice %arg4[%mul3A_18, %add3A_118, %mul3A_136] : memref<24x512x512xf32, #tpu.memory_space<hbm>> -> memref<3x8x128xf32, #tpu.memory_space<hbm>>
      %dma_start3A_138 = tpu.memref_slice %arg4[%mul3A_18, %add3A_118, %mul3A_136] : memref<24x512x512xf32, #tpu.memory_space<hbm>> -> memref<3x8x128xf32, #tpu.memory_space<hbm>>
      tpu.enqueue_dma source(%arg10 : memref<3x8x128xf32, #tpu.memory_space<vmem>>) target(%dma_start3A_138 : memref<3x8x128xf32, #tpu.memory_space<hbm>>) target_semaphore(%arg14 : memref<!tpu.dma_semaphore, #tpu.memory_space<semaphore_mem>>)
      %mul3A_139 = arith.constant 2 : i32
      %mul3A_140 = arith.muli %scan3A_62, %mul3A_139 : i32
      %add3A_141 = arith.constant 1 : i32
      %add3A_142 = arith.addi %mul3A_140, %add3A_141 : i32
      %add3A_143 = arith.constant 1 : i32
      %add3A_144 = arith.addi %add3A_142, %add3A_143 : i32
      %lt3A_145 = arith.constant 64 : i32
      %lt3A_146 = arith.cmpi slt, %add3A_144, %lt3A_145 : i32
      %convert_element_type3A_147 = arith.extui %lt3A_146 : i1 to i32
      %cond3A_148 = arith.constant 0 : i32
      %cond3A_149 = arith.cmpi ne, %convert_element_type3A_147, %cond3A_148 : i32
      scf.if %cond3A_149 {
        %add3A_218 = arith.constant 1 : i32
        %add3A_219 = arith.addi %add3A_142, %add3A_218 : i32
        %jit3A_220 = arith.constant 4 : i32
        %div3A_221 = arith.divsi %add3A_219, %jit3A_220 : i32
        %sign3A_222 = arith.constant 0 : i32
        %sign3A_223 = arith.cmpi sgt, %add3A_219, %sign3A_222 : i32
        %sign3A_224 = arith.extui %sign3A_223 : i1 to i32
        %sign3A_225 = arith.constant 0 : i32
        %sign3A_226 = arith.cmpi slt, %add3A_219, %sign3A_225 : i32
        %sign3A_227 = arith.extui %sign3A_226 : i1 to i32
        %sign3A_228 = arith.subi %sign3A_224, %sign3A_227 : i32
        %sign3A_229 = arith.constant 0 : i32
        %sign3A_230 = arith.cmpi sgt, %jit3A_220, %sign3A_229 : i32
        %sign3A_231 = arith.extui %sign3A_230 : i1 to i32
        %sign3A_232 = arith.constant 0 : i32
        %sign3A_233 = arith.cmpi slt, %jit3A_220, %sign3A_232 : i32
        %sign3A_234 = arith.extui %sign3A_233 : i1 to i32
        %sign3A_235 = arith.subi %sign3A_231, %sign3A_234 : i32
        %ne3A_236 = arith.cmpi ne, %sign3A_228, %sign3A_235 : i32
        %rem3A_237 = arith.remsi %add3A_219, %jit3A_220 : i32
        %ne3A_238 = arith.constant 0 : i32
        %ne3A_239 = arith.cmpi ne, %rem3A_237, %ne3A_238 : i32
        %and3A_240 = arith.andi %ne3A_236, %ne3A_239 : i1
        %sub3A_241 = arith.constant 1 : i32
        %sub3A_242 = arith.subi %div3A_221, %sub3A_241 : i32
        %select_n3A_243 = arith.select %and3A_240, %sub3A_242, %div3A_221 : i32
        %mul3A_244 = arith.constant 8 : i32
        %mul3A_245 = arith.muli %select_n3A_243, %mul3A_244 : i32
        %add3A_246 = arith.addi %mul3A_34, %mul3A_245 : i32
        %jit3A_247 = arith.constant 4 : i32
        %eq3A_248 = arith.constant 0 : i32
        %eq3A_249 = arith.cmpi eq, %jit3A_247, %eq3A_248 : i32
        %jit3A_250 = arith.constant 1 : i32
        %select_n3A_251 = arith.select %eq3A_249, %jit3A_250, %jit3A_247 : i32
        %rem3A_252 = arith.remsi %add3A_219, %select_n3A_251 : i32
        %ne3A_253 = arith.constant 0 : i32
        %ne3A_254 = arith.cmpi ne, %rem3A_252, %ne3A_253 : i32
        %lt3A_255 = arith.constant 0 : i32
        %lt3A_256 = arith.cmpi slt, %rem3A_252, %lt3A_255 : i32
        %lt3A_257 = arith.constant 0 : i32
        %lt3A_258 = arith.cmpi slt, %select_n3A_251, %lt3A_257 : i32
        %ne3A_259 = arith.xori %lt3A_256, %lt3A_258 : i1
        %and3A_260 = arith.andi %ne3A_259, %ne3A_254 : i1
        %add3A_261 = arith.addi %rem3A_252, %select_n3A_251 : i32
        %select_n3A_262 = arith.select %and3A_260, %add3A_261, %rem3A_252 : i32
        %mul3A_263 = arith.constant 128 : i32
        %mul3A_264 = arith.muli %select_n3A_262, %mul3A_263 : i32
        %dma_start3A_265 = tpu.memref_slice %arg2[%mul3A_18, %add3A_246, %mul3A_264] : memref<24x512x512xf32, #tpu.memory_space<hbm>> -> memref<3x8x128xf32, #tpu.memory_space<hbm>>
        %dma_start3A_266 = tpu.memref_slice %arg2[%mul3A_18, %add3A_246, %mul3A_264] : memref<24x512x512xf32, #tpu.memory_space<hbm>> -> memref<3x8x128xf32, #tpu.memory_space<hbm>>
        tpu.enqueue_dma source(%dma_start3A_266 : memref<3x8x128xf32, #tpu.memory_space<hbm>>) target(%arg8 : memref<3x8x128xf32, #tpu.memory_space<vmem>>) target_semaphore(%arg12 : memref<!tpu.dma_semaphore, #tpu.memory_space<semaphore_mem>>)
      } else {
      }
      %dma_wait3A_150 = arith.constant 0 : i32
      %dma_wait3A_151 = arith.constant 0 : i32
      %dma_wait3A_152 = arith.constant 0 : i32
      %dma_wait3A_153 = tpu.memref_slice %arg2[%dma_wait3A_150, %dma_wait3A_151, %dma_wait3A_152] : memref<24x512x512xf32, #tpu.memory_space<hbm>> -> memref<3x8x128xf32, #tpu.memory_space<hbm>>
      %dma_wait3A_154 = arith.constant 0 : i32
      %dma_wait3A_155 = arith.constant 0 : i32
      %dma_wait3A_156 = arith.constant 0 : i32
      %dma_wait3A_157 = tpu.memref_slice %arg2[%dma_wait3A_154, %dma_wait3A_155, %dma_wait3A_156] : memref<24x512x512xf32, #tpu.memory_space<hbm>> -> memref<3x8x128xf32, #tpu.memory_space<hbm>>
      tpu.wait_dma2 semaphore(%arg13 : memref<!tpu.dma_semaphore, #tpu.memory_space<semaphore_mem>>) src(%dma_wait3A_157 : memref<3x8x128xf32, #tpu.memory_space<hbm>>) dst(%arg9 : memref<3x8x128xf32, #tpu.memory_space<vmem>>)
      %ge3A_158 = arith.constant 1 : i32
      %ge3A_159 = arith.cmpi sge, %scan3A_62, %ge3A_158 : i32
      %convert_element_type3A_160 = arith.extui %ge3A_159 : i1 to i32
      %cond3A_161 = arith.constant 0 : i32
      %cond3A_162 = arith.cmpi ne, %convert_element_type3A_160, %cond3A_161 : i32
      scf.if %cond3A_162 {
        %dma_wait3A_218 = arith.constant 0 : i32
        %dma_wait3A_219 = arith.constant 0 : i32
        %dma_wait3A_220 = arith.constant 0 : i32
        %dma_wait3A_221 = tpu.memref_slice %arg4[%dma_wait3A_218, %dma_wait3A_219, %dma_wait3A_220] : memref<24x512x512xf32, #tpu.memory_space<hbm>> -> memref<3x8x128xf32, #tpu.memory_space<hbm>>
        %dma_wait3A_222 = arith.constant 0 : i32
        %dma_wait3A_223 = arith.constant 0 : i32
        %dma_wait3A_224 = arith.constant 0 : i32
        %dma_wait3A_225 = tpu.memref_slice %arg4[%dma_wait3A_222, %dma_wait3A_223, %dma_wait3A_224] : memref<24x512x512xf32, #tpu.memory_space<hbm>> -> memref<3x8x128xf32, #tpu.memory_space<hbm>>
        tpu.wait_dma2 semaphore(%arg15 : memref<!tpu.dma_semaphore, #tpu.memory_space<semaphore_mem>>) src(%arg11 : memref<3x8x128xf32, #tpu.memory_space<vmem>>) dst(%dma_wait3A_225 : memref<3x8x128xf32, #tpu.memory_space<hbm>>)
      } else {
      }
      %scan3A_163 = arith.constant 0 : i32
      %scan3A_164 = arith.constant 0 : i32
      %scan3A_165 = arith.constant 64 : i32
      %scan3A_166 = arith.addi %scan3A_164, %scan3A_165 : i32
      %scan3A_167 = arith.constant 1 : i32
      %scan3A_168 = scf.for %scan3A_218 = %scan3A_164 to %scan3A_166 step %scan3A_167 iter_args(%scan3A_219 = %scan3A_163) -> (i32)  : i32 {
        %jit3A_220 = arith.constant 8 : i32
        %div3A_221 = arith.divsi %scan3A_218, %jit3A_220 : i32
        %sign3A_222 = arith.constant 0 : i32
        %sign3A_223 = arith.cmpi sgt, %scan3A_218, %sign3A_222 : i32
        %sign3A_224 = arith.extui %sign3A_223 : i1 to i32
        %sign3A_225 = arith.constant 0 : i32
        %sign3A_226 = arith.cmpi slt, %scan3A_218, %sign3A_225 : i32
        %sign3A_227 = arith.extui %sign3A_226 : i1 to i32
        %sign3A_228 = arith.subi %sign3A_224, %sign3A_227 : i32
        %sign3A_229 = arith.constant 0 : i32
        %sign3A_230 = arith.cmpi sgt, %jit3A_220, %sign3A_229 : i32
        %sign3A_231 = arith.extui %sign3A_230 : i1 to i32
        %sign3A_232 = arith.constant 0 : i32
        %sign3A_233 = arith.cmpi slt, %jit3A_220, %sign3A_232 : i32
        %sign3A_234 = arith.extui %sign3A_233 : i1 to i32
        %sign3A_235 = arith.subi %sign3A_231, %sign3A_234 : i32
        %ne3A_236 = arith.cmpi ne, %sign3A_228, %sign3A_235 : i32
        %rem3A_237 = arith.remsi %scan3A_218, %jit3A_220 : i32
        %ne3A_238 = arith.constant 0 : i32
        %ne3A_239 = arith.cmpi ne, %rem3A_237, %ne3A_238 : i32
        %and3A_240 = arith.andi %ne3A_236, %ne3A_239 : i1
        %sub3A_241 = arith.constant 1 : i32
        %sub3A_242 = arith.subi %div3A_221, %sub3A_241 : i32
        %select_n3A_243 = arith.select %and3A_240, %sub3A_242, %div3A_221 : i32
        %jit3A_244 = arith.constant 8 : i32
        %eq3A_245 = arith.constant 0 : i32
        %eq3A_246 = arith.cmpi eq, %jit3A_244, %eq3A_245 : i32
        %jit3A_247 = arith.constant 1 : i32
        %select_n3A_248 = arith.select %eq3A_246, %jit3A_247, %jit3A_244 : i32
        %rem3A_249 = arith.remsi %scan3A_218, %select_n3A_248 : i32
        %ne3A_250 = arith.constant 0 : i32
        %ne3A_251 = arith.cmpi ne, %rem3A_249, %ne3A_250 : i32
        %lt3A_252 = arith.constant 0 : i32
        %lt3A_253 = arith.cmpi slt, %rem3A_249, %lt3A_252 : i32
        %lt3A_254 = arith.constant 0 : i32
        %lt3A_255 = arith.cmpi slt, %select_n3A_248, %lt3A_254 : i32
        %ne3A_256 = arith.xori %lt3A_253, %lt3A_255 : i1
        %and3A_257 = arith.andi %ne3A_256, %ne3A_251 : i1
        %add3A_258 = arith.addi %rem3A_249, %select_n3A_248 : i32
        %select_n3A_259 = arith.select %and3A_257, %add3A_258, %rem3A_249 : i32
        %mul3A_260 = arith.constant 16 : i32
        %mul3A_261 = arith.muli %select_n3A_259, %mul3A_260 : i32
        %get3A = arith.constant 0 : i32
        %get3A_262 = arith.index_cast %get3A : i32 to index
        %get3A_263 = arith.index_cast %select_n3A_243 : i32 to index
        %get3A_264 = arith.index_cast %mul3A_261 : i32 to index
        %get3A_265 = tpu.vector_load %arg9[%get3A_262, %get3A_263, %get3A_264] {strides = array<i32>} : memref<3x8x128xf32, #tpu.memory_space<vmem>>, vector<16xf32>,
        %mul3A_266 = vector.broadcast %scan3A : f32 to vector<16xf32>
        %mul3A_267 = arith.mulf %get3A_265, %mul3A_266 : vector<16xf32>
        %convert_element_type3A_268 = arith.fptosi %mul3A_267 : vector<16xf32> to vector<16xi32>
        %convert_element_type3A_269 = arith.sitofp %convert_element_type3A_268 : vector<16xi32> to vector<16xf32>
        %sub3A_270 = arith.subf %mul3A_267, %convert_element_type3A_269 : vector<16xf32>
        %get3A_271 = arith.constant 1 : i32
        %get3A_272 = arith.index_cast %get3A_271 : i32 to index
        %get3A_273 = arith.index_cast %select_n3A_243 : i32 to index
        %get3A_274 = arith.index_cast %mul3A_261 : i32 to index
        %get3A_275 = tpu.vector_load %arg9[%get3A_272, %get3A_273, %get3A_274] {strides = array<i32>} : memref<3x8x128xf32, #tpu.memory_space<vmem>>, vector<16xf32>,
        %mul3A_276 = vector.broadcast %scan3A : f32 to vector<16xf32>
        %mul3A_277 = arith.mulf %get3A_275, %mul3A_276 : vector<16xf32>
        %convert_element_type3A_278 = arith.fptosi %mul3A_277 : vector<16xf32> to vector<16xi32>
        %convert_element_type3A_279 = arith.sitofp %convert_element_type3A_278 : vector<16xi32> to vector<16xf32>
        %sub3A_280 = arith.subf %mul3A_277, %convert_element_type3A_279 : vector<16xf32>
        %get3A_281 = arith.constant 2 : i32
        %get3A_282 = arith.index_cast %get3A_281 : i32 to index
        %get3A_283 = arith.index_cast %select_n3A_243 : i32 to index
        %get3A_284 = arith.index_cast %mul3A_261 : i32 to index
        %get3A_285 = tpu.vector_load %arg9[%get3A_282, %get3A_283, %get3A_284] {strides = array<i32>} : memref<3x8x128xf32, #tpu.memory_space<vmem>>, vector<16xf32>,
        %mul3A_286 = vector.broadcast %scan3A : f32 to vector<16xf32>
        %mul3A_287 = arith.mulf %get3A_285, %mul3A_286 : vector<16xf32>
        %convert_element_type3A_288 = arith.fptosi %mul3A_287 : vector<16xf32> to vector<16xi32>
        %convert_element_type3A_289 = arith.sitofp %convert_element_type3A_288 : vector<16xi32> to vector<16xf32>
        %sub3A_290 = arith.subf %mul3A_287, %convert_element_type3A_289 : vector<16xf32>
        %mul3A_291 = arith.constant 1089 : i32
        %mul3A_292 = vector.broadcast %mul3A_291 : i32 to vector<16xi32>
        %mul3A_293 = arith.muli %convert_element_type3A_288, %mul3A_292 : vector<16xi32>
        %mul3A_294 = arith.constant 33 : i32
        %mul3A_295 = vector.broadcast %mul3A_294 : i32 to vector<16xi32>
        %mul3A_296 = arith.muli %convert_element_type3A_278, %mul3A_295 : vector<16xi32>
        %add3A_297 = arith.addi %mul3A_293, %mul3A_296 : vector<16xi32>
        %add3A_298 = arith.addi %add3A_297, %convert_element_type3A_268 : vector<16xi32>
        %sub3A_299 = arith.constant 1.000000e+00 : f32
        %sub3A_300 = vector.broadcast %sub3A_299 : f32 to vector<16xf32>
        %sub3A_301 = arith.subf %sub3A_300, %sub3A_270 : vector<16xf32>
        %broadcast_in_dim3A = arith.constant 0.000000e+00 : f32
        %broadcast_in_dim3A_302 = vector.broadcast %broadcast_in_dim3A : f32 to vector<16xf32>
        %broadcast_in_dim3A_303 = arith.constant 0.000000e+00 : f32
        %broadcast_in_dim3A_304 = vector.broadcast %broadcast_in_dim3A_303 : f32 to vector<16xf32>
        %broadcast_in_dim3A_305 = arith.constant 0.000000e+00 : f32
        %broadcast_in_dim3A_306 = vector.broadcast %broadcast_in_dim3A_305 : f32 to vector<16xf32>
        %sub3A_307 = arith.constant 1.000000e+00 : f32
        %sub3A_308 = vector.broadcast %sub3A_307 : f32 to vector<16xf32>
        %sub3A_309 = arith.subf %sub3A_308, %sub3A_290 : vector<16xf32>
        %sub3A_310 = arith.constant 1.000000e+00 : f32
        %sub3A_311 = vector.broadcast %sub3A_310 : f32 to vector<16xf32>
        %sub3A_312 = arith.subf %sub3A_311, %sub3A_280 : vector<16xf32>
        %mul3A_313 = arith.mulf %sub3A_309, %sub3A_312 : vector<16xf32>
        %mul3A_314 = arith.mulf %mul3A_313, %sub3A_301 : vector<16xf32>
        %mul3A_315 = arith.mulf %mul3A_313, %sub3A_270 : vector<16xf32>
        %add3A_316 = arith.constant 0 : i32
        %add3A_317 = vector.broadcast %add3A_316 : i32 to vector<16xi32>
        %add3A_318 = arith.addi %add3A_298, %add3A_317 : vector<16xi32>
        %add3A_319 = arith.constant 1 : i32
        %add3A_320 = vector.broadcast %add3A_319 : i32 to vector<16xi32>
        %add3A_321 = arith.addi %add3A_318, %add3A_320 : vector<16xi32>
        %gather3A = tpu.vector_load_idx %arg5[%add3A_318] : memref<35944xf32, #tpu.memory_space<vmem>>[vector<16xi32>], vector<16xf32>,
        %gather3A_322 = tpu.vector_load_idx %arg5[%add3A_321] : memref<35944xf32, #tpu.memory_space<vmem>>[vector<16xi32>], vector<16xf32>,
        %mul3A_323 = arith.mulf %mul3A_314, %gather3A : vector<16xf32>
        %mul3A_324 = arith.mulf %mul3A_315, %gather3A_322 : vector<16xf32>
        %add3A_325 = arith.addf %mul3A_323, %mul3A_324 : vector<16xf32>
        %add3A_326 = arith.addf %broadcast_in_dim3A_302, %add3A_325 : vector<16xf32>
        %gather3A_327 = tpu.vector_load_idx %arg6[%add3A_318] : memref<35944xf32, #tpu.memory_space<vmem>>[vector<16xi32>], vector<16xf32>,
        %gather3A_328 = tpu.vector_load_idx %arg6[%add3A_321] : memref<35944xf32, #tpu.memory_space<vmem>>[vector<16xi32>], vector<16xf32>,
        %mul3A_329 = arith.mulf %mul3A_314, %gather3A_327 : vector<16xf32>
        %mul3A_330 = arith.mulf %mul3A_315, %gather3A_328 : vector<16xf32>
        %add3A_331 = arith.addf %mul3A_329, %mul3A_330 : vector<16xf32>
        %add3A_332 = arith.addf %broadcast_in_dim3A_304, %add3A_331 : vector<16xf32>
        %gather3A_333 = tpu.vector_load_idx %arg7[%add3A_318] : memref<35944xf32, #tpu.memory_space<vmem>>[vector<16xi32>], vector<16xf32>,
        %gather3A_334 = tpu.vector_load_idx %arg7[%add3A_321] : memref<35944xf32, #tpu.memory_space<vmem>>[vector<16xi32>], vector<16xf32>,
        %mul3A_335 = arith.mulf %mul3A_314, %gather3A_333 : vector<16xf32>
        %mul3A_336 = arith.mulf %mul3A_315, %gather3A_334 : vector<16xf32>
        %add3A_337 = arith.addf %mul3A_335, %mul3A_336 : vector<16xf32>
        %add3A_338 = arith.addf %broadcast_in_dim3A_306, %add3A_337 : vector<16xf32>
        %mul3A_339 = arith.mulf %sub3A_309, %sub3A_280 : vector<16xf32>
        %mul3A_340 = arith.mulf %mul3A_339, %sub3A_301 : vector<16xf32>
        %mul3A_341 = arith.mulf %mul3A_339, %sub3A_270 : vector<16xf32>
        %add3A_342 = arith.constant 33 : i32
        %add3A_343 = vector.broadcast %add3A_342 : i32 to vector<16xi32>
        %add3A_344 = arith.addi %add3A_298, %add3A_343 : vector<16xi32>
        %add3A_345 = arith.constant 1 : i32
        %add3A_346 = vector.broadcast %add3A_345 : i32 to vector<16xi32>
        %add3A_347 = arith.addi %add3A_344, %add3A_346 : vector<16xi32>
        %gather3A_348 = tpu.vector_load_idx %arg5[%add3A_344] : memref<35944xf32, #tpu.memory_space<vmem>>[vector<16xi32>], vector<16xf32>,
        %gather3A_349 = tpu.vector_load_idx %arg5[%add3A_347] : memref<35944xf32, #tpu.memory_space<vmem>>[vector<16xi32>], vector<16xf32>,
        %mul3A_350 = arith.mulf %mul3A_340, %gather3A_348 : vector<16xf32>
        %mul3A_351 = arith.mulf %mul3A_341, %gather3A_349 : vector<16xf32>
        %add3A_352 = arith.addf %mul3A_350, %mul3A_351 : vector<16xf32>
        %add3A_353 = arith.addf %add3A_326, %add3A_352 : vector<16xf32>
        %gather3A_354 = tpu.vector_load_idx %arg6[%add3A_344] : memref<35944xf32, #tpu.memory_space<vmem>>[vector<16xi32>], vector<16xf32>,
        %gather3A_355 = tpu.vector_load_idx %arg6[%add3A_347] : memref<35944xf32, #tpu.memory_space<vmem>>[vector<16xi32>], vector<16xf32>,
        %mul3A_356 = arith.mulf %mul3A_340, %gather3A_354 : vector<16xf32>
        %mul3A_357 = arith.mulf %mul3A_341, %gather3A_355 : vector<16xf32>
        %add3A_358 = arith.addf %mul3A_356, %mul3A_357 : vector<16xf32>
        %add3A_359 = arith.addf %add3A_332, %add3A_358 : vector<16xf32>
        %gather3A_360 = tpu.vector_load_idx %arg7[%add3A_344] : memref<35944xf32, #tpu.memory_space<vmem>>[vector<16xi32>], vector<16xf32>,
        %gather3A_361 = tpu.vector_load_idx %arg7[%add3A_347] : memref<35944xf32, #tpu.memory_space<vmem>>[vector<16xi32>], vector<16xf32>,
        %mul3A_362 = arith.mulf %mul3A_340, %gather3A_360 : vector<16xf32>
        %mul3A_363 = arith.mulf %mul3A_341, %gather3A_361 : vector<16xf32>
        %add3A_364 = arith.addf %mul3A_362, %mul3A_363 : vector<16xf32>
        %add3A_365 = arith.addf %add3A_338, %add3A_364 : vector<16xf32>
        %sub3A_366 = arith.constant 1.000000e+00 : f32
        %sub3A_367 = vector.broadcast %sub3A_366 : f32 to vector<16xf32>
        %sub3A_368 = arith.subf %sub3A_367, %sub3A_280 : vector<16xf32>
        %mul3A_369 = arith.mulf %sub3A_290, %sub3A_368 : vector<16xf32>
        %mul3A_370 = arith.mulf %mul3A_369, %sub3A_301 : vector<16xf32>
        %mul3A_371 = arith.mulf %mul3A_369, %sub3A_270 : vector<16xf32>
        %add3A_372 = arith.constant 1089 : i32
        %add3A_373 = vector.broadcast %add3A_372 : i32 to vector<16xi32>
        %add3A_374 = arith.addi %add3A_298, %add3A_373 : vector<16xi32>
        %add3A_375 = arith.constant 1 : i32
        %add3A_376 = vector.broadcast %add3A_375 : i32 to vector<16xi32>
        %add3A_377 = arith.addi %add3A_374, %add3A_376 : vector<16xi32>
        %gather3A_378 = tpu.vector_load_idx %arg5[%add3A_374] : memref<35944xf32, #tpu.memory_space<vmem>>[vector<16xi32>], vector<16xf32>,
        %gather3A_379 = tpu.vector_load_idx %arg5[%add3A_377] : memref<35944xf32, #tpu.memory_space<vmem>>[vector<16xi32>], vector<16xf32>,
        %mul3A_380 = arith.mulf %mul3A_370, %gather3A_378 : vector<16xf32>
        %mul3A_381 = arith.mulf %mul3A_371, %gather3A_379 : vector<16xf32>
        %add3A_382 = arith.addf %mul3A_380, %mul3A_381 : vector<16xf32>
        %add3A_383 = arith.addf %add3A_353, %add3A_382 : vector<16xf32>
        %gather3A_384 = tpu.vector_load_idx %arg6[%add3A_374] : memref<35944xf32, #tpu.memory_space<vmem>>[vector<16xi32>], vector<16xf32>,
        %gather3A_385 = tpu.vector_load_idx %arg6[%add3A_377] : memref<35944xf32, #tpu.memory_space<vmem>>[vector<16xi32>], vector<16xf32>,
        %mul3A_386 = arith.mulf %mul3A_370, %gather3A_384 : vector<16xf32>
        %mul3A_387 = arith.mulf %mul3A_371, %gather3A_385 : vector<16xf32>
        %add3A_388 = arith.addf %mul3A_386, %mul3A_387 : vector<16xf32>
        %add3A_389 = arith.addf %add3A_359, %add3A_388 : vector<16xf32>
        %gather3A_390 = tpu.vector_load_idx %arg7[%add3A_374] : memref<35944xf32, #tpu.memory_space<vmem>>[vector<16xi32>], vector<16xf32>,
        %gather3A_391 = tpu.vector_load_idx %arg7[%add3A_377] : memref<35944xf32, #tpu.memory_space<vmem>>[vector<16xi32>], vector<16xf32>,
        %mul3A_392 = arith.mulf %mul3A_370, %gather3A_390 : vector<16xf32>
        %mul3A_393 = arith.mulf %mul3A_371, %gather3A_391 : vector<16xf32>
        %add3A_394 = arith.addf %mul3A_392, %mul3A_393 : vector<16xf32>
        %add3A_395 = arith.addf %add3A_365, %add3A_394 : vector<16xf32>
        %mul3A_396 = arith.mulf %sub3A_290, %sub3A_280 : vector<16xf32>
        %mul3A_397 = arith.mulf %mul3A_396, %sub3A_301 : vector<16xf32>
        %mul3A_398 = arith.mulf %mul3A_396, %sub3A_270 : vector<16xf32>
        %add3A_399 = arith.constant 1122 : i32
        %add3A_400 = vector.broadcast %add3A_399 : i32 to vector<16xi32>
        %add3A_401 = arith.addi %add3A_298, %add3A_400 : vector<16xi32>
        %add3A_402 = arith.constant 1 : i32
        %add3A_403 = vector.broadcast %add3A_402 : i32 to vector<16xi32>
        %add3A_404 = arith.addi %add3A_401, %add3A_403 : vector<16xi32>
        %gather3A_405 = tpu.vector_load_idx %arg5[%add3A_401] : memref<35944xf32, #tpu.memory_space<vmem>>[vector<16xi32>], vector<16xf32>,
        %gather3A_406 = tpu.vector_load_idx %arg5[%add3A_404] : memref<35944xf32, #tpu.memory_space<vmem>>[vector<16xi32>], vector<16xf32>,
        %mul3A_407 = arith.mulf %mul3A_397, %gather3A_405 : vector<16xf32>
        %mul3A_408 = arith.mulf %mul3A_398, %gather3A_406 : vector<16xf32>
        %add3A_409 = arith.addf %mul3A_407, %mul3A_408 : vector<16xf32>
        %add3A_410 = arith.addf %add3A_383, %add3A_409 : vector<16xf32>
        %gather3A_411 = tpu.vector_load_idx %arg6[%add3A_401] : memref<35944xf32, #tpu.memory_space<vmem>>[vector<16xi32>], vector<16xf32>,
        %gather3A_412 = tpu.vector_load_idx %arg6[%add3A_404] : memref<35944xf32, #tpu.memory_space<vmem>>[vector<16xi32>], vector<16xf32>,
        %mul3A_413 = arith.mulf %mul3A_397, %gather3A_411 : vector<16xf32>
        %mul3A_414 = arith.mulf %mul3A_398, %gather3A_412 : vector<16xf32>
        %add3A_415 = arith.addf %mul3A_413, %mul3A_414 : vector<16xf32>
        %add3A_416 = arith.addf %add3A_389, %add3A_415 : vector<16xf32>
        %gather3A_417 = tpu.vector_load_idx %arg7[%add3A_401] : memref<35944xf32, #tpu.memory_space<vmem>>[vector<16xi32>], vector<16xf32>,
        %gather3A_418 = tpu.vector_load_idx %arg7[%add3A_404] : memref<35944xf32, #tpu.memory_space<vmem>>[vector<16xi32>], vector<16xf32>,
        %mul3A_419 = arith.mulf %mul3A_397, %gather3A_417 : vector<16xf32>
        %mul3A_420 = arith.mulf %mul3A_398, %gather3A_418 : vector<16xf32>
        %add3A_421 = arith.addf %mul3A_419, %mul3A_420 : vector<16xf32>
        %add3A_422 = arith.addf %add3A_395, %add3A_421 : vector<16xf32>
        %swap3A = arith.constant 0 : i32
        %swap3A_423 = arith.index_cast %swap3A : i32 to index
        %swap3A_424 = arith.index_cast %select_n3A_243 : i32 to index
        %swap3A_425 = arith.index_cast %mul3A_261 : i32 to index
        %swap3A_426 = tpu.vector_load %arg11[%swap3A_423, %swap3A_424, %swap3A_425] {strides = array<i32>} : memref<3x8x128xf32, #tpu.memory_space<vmem>>, vector<16xf32>,
        tpu.vector_store %arg11[%swap3A_423, %swap3A_424, %swap3A_425], %add3A_410 {strides = array<i32>} : memref<3x8x128xf32, #tpu.memory_space<vmem>>, vector<16xf32>,
        %swap3A_427 = arith.constant 1 : i32
        %swap3A_428 = arith.index_cast %swap3A_427 : i32 to index
        %swap3A_429 = arith.index_cast %select_n3A_243 : i32 to index
        %swap3A_430 = arith.index_cast %mul3A_261 : i32 to index
        %swap3A_431 = tpu.vector_load %arg11[%swap3A_428, %swap3A_429, %swap3A_430] {strides = array<i32>} : memref<3x8x128xf32, #tpu.memory_space<vmem>>, vector<16xf32>,
        tpu.vector_store %arg11[%swap3A_428, %swap3A_429, %swap3A_430], %add3A_416 {strides = array<i32>} : memref<3x8x128xf32, #tpu.memory_space<vmem>>, vector<16xf32>,
        %swap3A_432 = arith.constant 2 : i32
        %swap3A_433 = arith.index_cast %swap3A_432 : i32 to index
        %swap3A_434 = arith.index_cast %select_n3A_243 : i32 to index
        %swap3A_435 = arith.index_cast %mul3A_261 : i32 to index
        %swap3A_436 = tpu.vector_load %arg11[%swap3A_433, %swap3A_434, %swap3A_435] {strides = array<i32>} : memref<3x8x128xf32, #tpu.memory_space<vmem>>, vector<16xf32>,
        tpu.vector_store %arg11[%swap3A_433, %swap3A_434, %swap3A_435], %add3A_422 {strides = array<i32>} : memref<3x8x128xf32, #tpu.memory_space<vmem>>, vector<16xf32>,
        %scan3A_437 = arith.constant 0 : i32
        scf.yield %scan3A_437 : i32
      }
      %scan3A_169 = arith.constant 64 : i32
      %jit3A_170 = arith.constant 4 : i32
      %div3A_171 = arith.divsi %add3A_142, %jit3A_170 : i32
      %sign3A_172 = arith.constant 0 : i32
      %sign3A_173 = arith.cmpi sgt, %add3A_142, %sign3A_172 : i32
      %sign3A_174 = arith.extui %sign3A_173 : i1 to i32
      %sign3A_175 = arith.constant 0 : i32
      %sign3A_176 = arith.cmpi slt, %add3A_142, %sign3A_175 : i32
      %sign3A_177 = arith.extui %sign3A_176 : i1 to i32
      %sign3A_178 = arith.subi %sign3A_174, %sign3A_177 : i32
      %sign3A_179 = arith.constant 0 : i32
      %sign3A_180 = arith.cmpi sgt, %jit3A_170, %sign3A_179 : i32
      %sign3A_181 = arith.extui %sign3A_180 : i1 to i32
      %sign3A_182 = arith.constant 0 : i32
      %sign3A_183 = arith.cmpi slt, %jit3A_170, %sign3A_182 : i32
      %sign3A_184 = arith.extui %sign3A_183 : i1 to i32
      %sign3A_185 = arith.subi %sign3A_181, %sign3A_184 : i32
      %ne3A_186 = arith.cmpi ne, %sign3A_178, %sign3A_185 : i32
      %rem3A_187 = arith.remsi %add3A_142, %jit3A_170 : i32
      %ne3A_188 = arith.constant 0 : i32
      %ne3A_189 = arith.cmpi ne, %rem3A_187, %ne3A_188 : i32
      %and3A_190 = arith.andi %ne3A_186, %ne3A_189 : i1
      %sub3A_191 = arith.constant 1 : i32
      %sub3A_192 = arith.subi %div3A_171, %sub3A_191 : i32
      %select_n3A_193 = arith.select %and3A_190, %sub3A_192, %div3A_171 : i32
      %mul3A_194 = arith.constant 8 : i32
      %mul3A_195 = arith.muli %select_n3A_193, %mul3A_194 : i32
      %add3A_196 = arith.addi %mul3A_34, %mul3A_195 : i32
      %jit3A_197 = arith.constant 4 : i32
      %eq3A_198 = arith.constant 0 : i32
      %eq3A_199 = arith.cmpi eq, %jit3A_197, %eq3A_198 : i32
      %jit3A_200 = arith.constant 1 : i32
      %select_n3A_201 = arith.select %eq3A_199, %jit3A_200, %jit3A_197 : i32
      %rem3A_202 = arith.remsi %add3A_142, %select_n3A_201 : i32
      %ne3A_203 = arith.constant 0 : i32
      %ne3A_204 = arith.cmpi ne, %rem3A_202, %ne3A_203 : i32
      %lt3A_205 = arith.constant 0 : i32
      %lt3A_206 = arith.cmpi slt, %rem3A_202, %lt3A_205 : i32
      %lt3A_207 = arith.constant 0 : i32
      %lt3A_208 = arith.cmpi slt, %select_n3A_201, %lt3A_207 : i32
      %ne3A_209 = arith.xori %lt3A_206, %lt3A_208 : i1
      %and3A_210 = arith.andi %ne3A_209, %ne3A_204 : i1
      %add3A_211 = arith.addi %rem3A_202, %select_n3A_201 : i32
      %select_n3A_212 = arith.select %and3A_210, %add3A_211, %rem3A_202 : i32
      %mul3A_213 = arith.constant 128 : i32
      %mul3A_214 = arith.muli %select_n3A_212, %mul3A_213 : i32
      %dma_start3A_215 = tpu.memref_slice %arg4[%mul3A_18, %add3A_196, %mul3A_214] : memref<24x512x512xf32, #tpu.memory_space<hbm>> -> memref<3x8x128xf32, #tpu.memory_space<hbm>>
      %dma_start3A_216 = tpu.memref_slice %arg4[%mul3A_18, %add3A_196, %mul3A_214] : memref<24x512x512xf32, #tpu.memory_space<hbm>> -> memref<3x8x128xf32, #tpu.memory_space<hbm>>
      tpu.enqueue_dma source(%arg11 : memref<3x8x128xf32, #tpu.memory_space<vmem>>) target(%dma_start3A_216 : memref<3x8x128xf32, #tpu.memory_space<hbm>>) target_semaphore(%arg15 : memref<!tpu.dma_semaphore, #tpu.memory_space<semaphore_mem>>)
      %scan3A_217 = arith.constant 0 : i32
      scf.yield %scan3A_217 : i32
    }
    %scan3A_46 = arith.constant 32 : i32
    %dma_wait3A = arith.constant 0 : i32
    %dma_wait3A_47 = arith.constant 0 : i32
    %dma_wait3A_48 = arith.constant 0 : i32
    %dma_wait3A_49 = tpu.memref_slice %arg4[%dma_wait3A, %dma_wait3A_47, %dma_wait3A_48] : memref<24x512x512xf32, #tpu.memory_space<hbm>> -> memref<3x8x128xf32, #tpu.memory_space<hbm>>
    %dma_wait3A_50 = arith.constant 0 : i32
    %dma_wait3A_51 = arith.constant 0 : i32
    %dma_wait3A_52 = arith.constant 0 : i32
    %dma_wait3A_53 = tpu.memref_slice %arg4[%dma_wait3A_50, %dma_wait3A_51, %dma_wait3A_52] : memref<24x512x512xf32, #tpu.memory_space<hbm>> -> memref<3x8x128xf32, #tpu.memory_space<hbm>>
    tpu.wait_dma2 semaphore(%arg14 : memref<!tpu.dma_semaphore, #tpu.memory_space<semaphore_mem>>) src(%arg10 : memref<3x8x128xf32, #tpu.memory_space<vmem>>) dst(%dma_wait3A_53 : memref<3x8x128xf32, #tpu.memory_space<hbm>>)
    %dma_wait3A_54 = arith.constant 0 : i32
    %dma_wait3A_55 = arith.constant 0 : i32
    %dma_wait3A_56 = arith.constant 0 : i32
    %dma_wait3A_57 = tpu.memref_slice %arg4[%dma_wait3A_54, %dma_wait3A_55, %dma_wait3A_56] : memref<24x512x512xf32, #tpu.memory_space<hbm>> -> memref<3x8x128xf32, #tpu.memory_space<hbm>>
    %dma_wait3A_58 = arith.constant 0 : i32
    %dma_wait3A_59 = arith.constant 0 : i32
    %dma_wait3A_60 = arith.constant 0 : i32
    %dma_wait3A_61 = tpu.memref_slice %arg4[%dma_wait3A_58, %dma_wait3A_59, %dma_wait3A_60] : memref<24x512x512xf32, #tpu.memory_space<hbm>> -> memref<3x8x128xf32, #tpu.memory_space<hbm>>
    tpu.wait_dma2 semaphore(%arg15 : memref<!tpu.dma_semaphore, #tpu.memory_space<semaphore_mem>>) src(%arg11 : memref<3x8x128xf32, #tpu.memory_space<vmem>>) dst(%dma_wait3A_61 : memref<3x8x128xf32, #tpu.memory_space<hbm>>)
    return
  }
}

</mosaic_0001>

<sc_bundles>
// kernel: kernel.3.cloned.1.call-start
scs
__scs_entry_jumppad:
0x0: {  	(pc) =	sbr.rel $0x88, $3  }
0x1: {  	(tag) =	ssettag $0x0;
	lr =	simm.s32 $0x1  }
0x2: {  	[smem:$0x3F9F] =	sst lr;
	_ =	strace $0xD0000000  }
0x3: {  	_ = 	snop  }
0x4: {  	_ = 	snop  }
0x5: {  	_ = 	snop  }
0x6: {  	_ = 	snop  }
0x7: {  	_ = 	snop  }
__scs_overlays_trampoline_lowered:
0x8: {  	[smem:$0x3FAE] =	sst s0  }
0x9: {  	[smem:$0x3FAF] =	sst s1  }
0xa: {  	[smem:$0x3FB0] =	sst s2  }
0xb: {  	[smem:$0x3FB1] =	sst s3  }
0xc: {  	[smem:$0x3FB2] =	sst s4  }
0xd: {  	[smem:$0x3FB3] =	sst s5  }
0xe: {  	[smem:$0x3FB4] =	sst s6  }
0xf: {  	[smem:$0x3FB5] =	sst s7  }
0x10: {  	[smem:$0x3FB6] =	sst s8  }
0x11: {  	[smem:$0x3FB7] =	sst s9;
	s0 =	simm.s32 @!p0 $0x0  }
0x12: {  	s1 =	sld [smem:$0x3F9D];
	s0 =	simm.s32 @p0 $0x1  }
0x13: {  	[smem:$0x3FB8] =	sst s0;
	s0 =	simm.s32 @!p1 $0x0  }
0x14: {  	s2 =	sld [smem:$0x3F9C];
	s0 =	simm.s32 @p1 $0x1  }
0x15: {  	[smem:$0x3FB9] =	sst s0;
	s0 =	simm.s32 @!p2 $0x0  }
0x16: {  	s3 =	sld [smem:$0x3FDB];
	s0 =	simm.s32 @p2 $0x1  }
0x17: {  	s4 =	simm.s32 $0x1BF5;
	[smem:$0x3FBB] =	sst s0  }
0x18: {  	s0 =	sld [smem:$0x3F9E];
	_ =	swait.ge [sflag:s4], $0x0  }
0x19: {  	s7 =	sld [smem:$0x3F9F]  }
0x1a: {  	s8 =	sadd.s32 $0xFFFFE003, lr  }
0x1b: {  	s9 =	sadd.s32 $0xFFFFFEF7, lr;
	s5 =	simm.s32 $0xFFFFFFFF;
	p2 =	slt.u32 s8, $0xFFFFF086  }
0x1c: {  	p1 =	slt.u32 s9, $0xF7A;
	s5 =	simm.s32 @!p2 $0x0  }
0x1d: {  	s5 =	simm.s32 @p1 $0x1;
	p0 =	seq.s32 s7, s2  }
0x1e: {  	s7 =	smul.u32 @!p0 $0xF7A, s2;
	p2 =	seq.s32 @!p0 s5, $0x0  }
0x1f: {  	s9 =	smul.u32 $0xF7A, s1;
	s8 =	simm.s32 @!p0 $0x1BF5;
	p2 =	por !p2, p0  }
0x20: {  	[sflag:s8] =	ssyncset.s32 @!p0 $0xFFFFF086;
	s6 =	sadd.s32 @!p0 s3, s7;
	s7 =	simm.s32 @!p0 $0x108  }
0x21: {  	s3 =	sadd.s32 s3, s9;
	s6 =	sadd.s32 @!p0 $0x88, s6;
	s7 =	simm.s32 @p2 $0x1082  }
0x22: {  	[simem:s7], [sflag:s8] =	dma.local @!p0 [hbm:s6], $0xF7A  }
0x23: {  	s9 =	sor.u32 $0xD0000000, s2;
	s6 =	simm.s32 $0x108;
	_ =	swait.ge @!p0 [sflag:s8], $0x0  }
0x24: {  	s3 =	sadd.s32 $0x88, s3;
	s6 =	simm.s32 @!p1 $0x1082;
	[sflag:s4] =	ssyncset.s32 $0xFFFFF086  }
0x25: {  	[simem:s6], [sflag:s4] =	dma.local [hbm:s3], $0xF7A  }
0x26: {  	[smem:$0x3F9F] =	sst s1;
	(tag) =	ssettag s2;
	_ =	strace s9  }
0x27: {  	s1 =	sld [smem:$0x3FAF]  }
0x28: {  	s2 =	sld [smem:$0x3FB0]  }
0x29: {  	s4 =	sld [smem:$0x3FB2]  }
0x2a: {  	p0 =	seq.s32 s5, $0x0;
	s5 =	sld [smem:$0x3FB3]  }
0x2b: {  	s6 =	sld [smem:$0x3FB4]  }
0x2c: {  	s7 =	sld [smem:$0x3FB5]  }
0x2d: {  	s3 =	simm.s32 $0x108;
	s8 =	sld [smem:$0x3FB6]  }
0x2e: {  	s3 =	simm.s32 @!p0 $0x1082;
	s9 =	sld [smem:$0x3FB7]  }
0x2f: {  	lr =	sadd.s32 s0, s3;
	s0 =	sld [smem:$0x3FAE]  }
0x30: {  	s3 =	sld [smem:$0x3FB1]  }
0x31: {  	[smem:$0x3FBA] =	sst s10  }
0x32: {  	s10 =	sld [smem:$0x3FB8];
	_ =	sdelay $0x3  }
0x33: {  	p0 =	seq.s32 s10, $0x1;
	s10 =	sld [smem:$0x3FBA];
	_ =	sdelay $0x3  }
0x34: {  	[smem:$0x3FBA] =	sst s10  }
0x35: {  	s10 =	sld [smem:$0x3FB9];
	_ =	sdelay $0x3  }
0x36: {  	p1 =	seq.s32 s10, $0x1;
	s10 =	sld [smem:$0x3FBA];
	_ =	sdelay $0x3  }
0x37: {  	[smem:$0x3FBA] =	sst s10  }
0x38: {  	s10 =	sld [smem:$0x3FBB]  }
0x39: {  	_ = 	snop;
	(pc) =	sbr.ind lr, $3  }
0x3a: {  	_ = 	snop  }
0x3b: {  	_ = 	snop  }
0x3c: {  	p2 =	seq.s32 s10, $0x1;
	s10 =	sld [smem:$0x3FBA]  }
0x3d: {  	_ =	shalt  }
0x3e: {  	_ =	shalt  }
0x3f: {  	_ =	shalt  }
0x40: {  	_ =	shalt  }
0x41: {  	_ =	shalt  }
0x42: {  	_ =	shalt  }
0x43: {  	_ =	shalt  }
0x44: {  	_ =	shalt  }
0x45: {  	_ =	shalt  }
0x46: {  	_ =	shalt  }
0x47: {  	_ =	shalt  }
0x48: {  	_ =	shalt  }
0x49: {  	_ =	shalt  }
0x4a: {  	_ =	shalt  }
0x4b: {  	_ =	shalt  }
0x4c: {  	_ =	shalt  }
0x4d: {  	_ =	shalt  }
0x4e: {  	_ =	shalt  }
0x4f: {  	_ =	shalt  }
0x50: {  	_ =	shalt  }
0x51: {  	_ =	shalt  }
0x52: {  	_ =	shalt  }
0x53: {  	_ =	shalt  }
0x54: {  	_ =	shalt  }
0x55: {  	_ =	shalt  }
0x56: {  	_ =	shalt  }
0x57: {  	_ =	shalt  }
0x58: {  	_ =	shalt  }
0x59: {  	_ =	shalt  }
0x5a: {  	_ =	shalt  }
0x5b: {  	_ =	shalt  }
0x5c: {  	_ =	shalt  }
0x5d: {  	_ =	shalt  }
0x5e: {  	_ =	shalt  }
0x5f: {  	_ =	shalt  }
0x60: {  	_ =	shalt  }
0x61: {  	_ =	shalt  }
0x62: {  	_ =	shalt  }
0x63: {  	_ =	shalt  }
0x64: {  	_ =	shalt  }
0x65: {  	_ =	shalt  }
0x66: {  	_ =	shalt  }
0x67: {  	_ =	shalt  }
0x68: {  	_ =	shalt  }
0x69: {  	_ =	shalt  }
0x6a: {  	_ =	shalt  }
0x6b: {  	_ =	shalt  }
0x6c: {  	_ =	shalt  }
0x6d: {  	_ =	shalt  }
0x6e: {  	_ =	shalt  }
0x6f: {  	_ =	shalt  }
0x70: {  	_ =	shalt  }
0x71: {  	_ =	shalt  }
0x72: {  	_ =	shalt  }
0x73: {  	_ =	shalt  }
0x74: {  	_ =	shalt  }
0x75: {  	_ =	shalt  }
0x76: {  	_ =	shalt  }
0x77: {  	_ =	shalt  }
0x78: {  	_ =	shalt  }
0x79: {  	_ =	shalt  }
0x7a: {  	_ =	shalt  }
0x7b: {  	_ =	shalt  }
0x7c: {  	_ =	shalt  }
0x7d: {  	_ =	shalt  }
0x7e: {  	_ =	shalt  }
0x7f: {  	_ =	shalt  }
0x80: {  	_ =	shalt  }
0x81: {  	_ =	shalt  }
0x82: {  	_ =	shalt  }
0x83: {  	_ =	shalt  }
0x84: {  	_ =	shalt  }
0x85: {  	_ =	shalt  }
0x86: {  	_ =	shalt  }
0x87: {  	_ =	shalt  }
.Lfunc_end0:
.L_simem_size_0:
called_computation_lowered:
.L_overlay_start_0:
0x88: {  	s2 =	sld [smem:$0x3FD9]  }
0x89: {  	s3 =	sld [smem:$0x3FFE];
	_ =	sdelay $0x1  }
0x8a: {  	s1 =	srdreg.scid  }
0x8b: {  	s0 =	sand.u32 $0x1, s1  }
0x8c: {  	s17 =	sshll.u32 s0, $0xA;
	s2 =	sadd.s32 s3, s2  }
0x8d: {  	s2 =	sadd.s32 s2, s17  }
0x8e: {  	[smem:$0x3FC6] =	sst s2  }
0x8f: {  	_ = 	snop  }
0x90: {  	s2 =	sld [smem:$0x3FC9]  }
0x91: {  	s18 =	sld [smem:$0x3FD0];
	(tm) =	ssettm $0x1  }
0x92: {  	s4 =	sld [smem:$0x3FFB];
	_ =	sdelay $0x3  }
0x93: {  	_ =	strace s4  }
0x94: {  	s4 =	sld [smem:$0x3FFC];
	_ =	sdelay $0x3  }
0x95: {  	_ =	strace s4  }
0x96: {  	s4 =	sld [smem:$0x3FFD];
	_ =	sdelay $0x3  }
0x97: {  	_ =	strace s4  }
0x98: {  	_ =	strace $0x8FFFFFFF  }
0x99: {  	s19 =	sld [smem:$0x3FDB];
	_ =	sdelay $0x1  }
0x9a: {  	s5 =	simm.s32 $_scs_section_size  }
0x9b: {  	s6 =	simm.s32 $_size__tile_overlayer_lowered;
	s7 =	simm.s32 $_tile_overlayer_lowered  }
0x9c: {  	s22 =	simm.s32 $0x1BFF;
	s21 =	sshll.u32 s7, $0x1;
	s4 =	sadd.s32 s5, s19  }
0x9d: {  	s8 =	simm.s32 $0x0;
	s20 =	sshll.u32 s6, $0x1;
	s6 =	sadd.s32 s21, s4  }
0x9e: {  	[timem:s8], [sflag:s22] =	dma.local [hbm:s6], s20  }
0x9f: {  	_ =	swait.ge [sflag:s22], s20  }
0xa0: {  	s5 =	ssub.s32 $0x0, s20;
	[sflag:s22] =	ssyncset.done $0x0  }
0xa1: {  	[sflag:s22] =	ssyncadd.s32 s5;
	_ =	sdelay $0x1  }
0xa2: {  	s23 =	simm.s32 $0x1B8B  }
0xa3: {  	_ =	swait.ge [sflag:s23], $0x1  }
0xa4: {  	[sflag:s23] =	ssyncset.done $0x0  }
0xa5: {  	s25 =	simm.s32 $0x1B8E;
	s24 =	sld [smem:$0x3FFE];
	[sflag:s23] =	ssyncadd.s32 $0xFFFFFFFF  }
0xa6: {  	s26 =	simm.s32 $execute0_lowered;
	[smem:$0x3FD2] =	sst s25  }
0xa7: {  	s6 =	sshll.u32 s26, $0x1;
	_ =	strace $0x80000046;
	[dreg:$0x1] =	wrdreg $0xFFFFFFFF  }
0xa8: {  	s28 =	simm.s32 $_size_execute0_lowered;
	s4 =	sadd.s32 s4, s6;
	[dreg:$0x0] =	wrdreg $0x0  }
0xa9: {  	s6 =	sshll.u32 s28, $0x1;
	[dreg:$0x2] =	wrdreg s4  }
0xaa: {  	[dreg:$0x3] =	wrdreg s6  }
0xab: {  	[dreg:$0x4] =	wrdreg $0xC0  }
0xac: {  	_ =	task [dreg:s8], $0x5FFFF  }
0xad: {  	[dreg:$0x1] =	wrdreg $0xFFFFFFFF  }
0xae: {  	[dreg:$0x0] =	wrdreg $0x60  }
0xaf: {  	[dreg:$0x2] =	wrdreg s2  }
0xb0: {  	[dreg:$0x3] =	wrdreg s24  }
0xb1: {  	[dreg:$0x4] =	wrdreg s18  }
0xb2: {  	[dreg:$0x5] =	wrdreg $0x9  }
0xb3: {  	_ =	task.clear_ibuf [dreg:s8], $0x6FFFF;
	_ =	strace $0x90000046  }
0xb4: {  	s29 =	simm.s32 $0x9;
	_ =	strace $0x80000048  }
0xb5: {  	_ =	swait.ge [sflag:s29], $0x1  }
0xb6: {  	[sflag:s29] =	ssyncadd.s32 $0xFFFFFFFF  }
0xb7: {  	_ =	strace $0x90000048  }
0xb8: {  	_ =	sfence  }
0xb9: {  	s30 =	sld [smem:$0x0];
	_ =	sdelay $0x2  }
0xba: {  	s31 =	sshll.u32 s1, $0xD;
	s1 =	sshrl.u32 s1, $0x2  }
0xbb: {  	s3 =	sand.u32 $0x4000, s31;
	s1 =	sadd.s32 s1, s30  }
0xbc: {  	s0 =	sor.u32 s3, s0;
	s1 =	sshll.u32 s1, $0x11  }
0xbd: {  	s0 =	sor.u32 s1, s0  }
0xbe: {  	s0 =	sadd.s32 $0x8F2B, s0  }
0xbf: {  	[sflag:s0] =	ssyncadd.remote.s32 $0x1  }
0xc0: {  	_ =	sfence.sel $0xFFFF  }
0xc1: {  	[dreg:$0x0] =	wrdreg $0xFFFFFFFF;
	(pc) =	sbr.abs _section_cstart, $3  }
0xc2: {  	[dreg:$0x1] =	wrdreg $0xFFFFFFFF  }
0xc3: {  	_ =	task.clear_ibuf [dreg:s8], $0x2FFFF;
	_ =	strace $0x9FFFFFFF  }
0xc4: {  	(tm) =	ssettm $0x7FFFFFFF  }
0xc5: {  	_ =	shalt  }
tec
execute0_lowered:
.L_overlay_start_1:
0x0: {  	(tag) =	ssettag $0x1  }
0x1: {  	s2 =	rddreg [dreg:$0x0]  }
0x2: {  	s0 =	rddreg [dreg:$0x1]  }
0x3: {  	s3 =	rddreg [dreg:$0x2];
	s5 =	stileid.u32  }
0x4: {  	s1 =	srdreg.scid;
	s11 =	simm.s32 $0x5;
	s12 =	simm.s32 $0x8C80  }
0x5: {  	s13 =	simm.s32 $0x11900;
	s14 =	simm.s32 $0x400;
	s15 =	simm.s32 $0x40000  }
0x6: {  	s16 =	simm.s32 $0x1A580;
	s17 =	simm.s32 $0x1B180;
	s18 =	simm.s32 $0x1  }
0x7: {  	s19 =	simm.s32 $0x1BD80;
	s20 =	simm.s32 $0x2;
	s21 =	simm.s32 $0x4  }
0x8: {  	s22 =	simm.s32 $0x1C980;
	s23 =	simm.s32 $0x3;
	s24 =	simm.s32 $0x0  }
0x9: {  	s4 =	sshll.u32 s5, $0x1;
	s1 =	sand.u32 $0x1, s1;
	s5 =	sshrl.u32 s5, $0x1  }
0xa: {  	s31 =	sadd.s32 $0x400, s0;
	s8 =	sadd.s32 $0x271A, s0;
	s6 =	sand.u32 $0x2, s4  }
0xb: {  	s4 =	simm.s32 $0x0;
	s5 =	smul.u32 $0xC0000, s5;
	s6 =	sor.u32 s1, s6  }
0xc: {  	[smem:$0x7FF] =	sst s4;
	s1 =	ssub.s32 $0x2, s1;
	s6 =	sshll.u32 s6, $0x10  }
0xd: {  	_ =	strace $0x80000047;
	s7 =	sshrl.u32 s1, $0x1;
	s5 =	sor.u32 s5, s6  }
0xe: {  	[dreg:$0x4] =	wrdreg s31;
	s1 =	ssub.s32 s1, s7;
	s9 =	sshrl.u32 s5, $0x3  }
0xf: {  	s7 =	sadd.s32 $0x158D, s0;
	s10 =	smax.u32 s1, $0x1;
	s9 =	sadd.s32 s2, s9  }
.LBB2_1:
0x10: {  	s0 =	rddreg [dreg:$0x4]  }
0x11: {  	[tilespmem:s4], [sflag:$0x5] =	stream.linear.gather [hbm4b:s0+s4], $0x8C68, $0x38;
	[tilespmem:$0x1D580] =	vst v63  }
0x12: {  	_ =	swait.ge [sflag:s11], $0x8C68  }
0x13: {  	[sflag:s11] =	ssyncset.done $0x0  }
0x14: {  	[sflag:s11] =	ssyncadd.s32 $0xFFFF7398  }
0x15: {  	[tilespmem:s12], [sflag:$0x5] =	stream.linear.gather [hbm4b:s7+s4], $0x8C68, $0x38;
	[tilespmem:$0x1D580] =	vst v63  }
0x16: {  	_ =	swait.ge [sflag:s11], $0x8C68  }
0x17: {  	[sflag:s11] =	ssyncset.done $0x0  }
0x18: {  	[sflag:s11] =	ssyncadd.s32 $0xFFFF7398  }
0x19: {  	[tilespmem:s13], [sflag:$0x5] =	stream.linear.gather [hbm4b:s8+s4], $0x8C68, $0x38;
	[tilespmem:$0x1D580] =	vst v63  }
0x1a: {  	_ =	swait.ge [sflag:s11], $0x8C68  }
0x1b: {  	[sflag:s11] =	ssyncset.done $0x0  }
0x1c: {  	s25 =	simm.s32 $0x0;
	[sflag:s11] =	ssyncadd.s32 $0xFFFF7398  }
0x1d: {  	[tilespmem:s16], [sflag:$0x1] =	stream.strided.gather [hbm4b:s9+s14], $0xC00, s15, s14, $0x38;
	[tilespmem:$0x1D580] =	vst v63  }
.LBB2_2:
0x1e: {  	s28 =	sshll.u32 s25, $0xB  }
0x1f: {  	s0 =	sand.u32 $0xF800, s28  }
0x20: {  	s0 =	sor.u32 s5, s0  }
0x21: {  	s29 =	sshrl.u32 s0, $0x3  }
0x22: {  	s26 =	sor.u32 $0x80, s29  }
0x23: {  	s6 =	sadd.s32 s2, s26  }
0x24: {  	[tilespmem:s17], [sflag:$0x2] =	stream.strided.gather [hbm4b:s6+s14], $0xC00, s15, s14, $0x38;
	[tilespmem:$0x1D580] =	vst v63  }
0x25: {  	_ =	swait.ge [sflag:s18], $0xC00  }
0x26: {  	p0 =	seq.s32 s25, $0x0;
	[sflag:s18] =	ssyncset.done $0x0  }
0x27: {  	s0 =	simm.s32 @!p0 $0x3;
	[sflag:s18] =	ssyncadd.s32 $0xFFFFF400  }
0x28: {  	_ =	swait.ge @!p0 [sflag:s0], $0xC00  }
0x29: {  	[sflag:s0] =	ssyncset.done @!p0 $0x0  }
0x2a: {  	s31 =	simm.s32 $0x0;
	[sflag:s0] =	ssyncadd.s32 @!p0 $0xFFFFF400  }
0x2b: {  	v1 =	vld [tilespmem:s31+$0x1A980]  }
0x2c: {  	v2 =	vld [tilespmem:s31+$0x1AD80]  }
0x2d: {  	v0 =	vld [tilespmem:s31+$0x1A580];
	_ =	sdelay $0x3  }
0x2e: {  	v2 =	vmul.f32 $3.200000000e+01, v2;
	v1 =	vmul.f32 $3.200000000e+01, v1  }
0x2f: {  	v0 =	vmul.f32 $3.200000000e+01, v0  }
0x30: {  	v4 =	vtrunc.f32 v2;
	v5 =	vtrunc.f32 v1  }
0x31: {  	v5 =	vcvt.f32.s32 v5;
	v4 =	vcvt.f32.s32 v4  }
0x32: {  	v3 =	vtrunc.f32 v0  }
0x33: {  	v6 =	vcvt.s32.f32 v5;
	v7 =	vcvt.s32.f32 v4  }
0x34: {  	v3 =	vcvt.f32.s32 v3  }
0x35: {  	v5 =	vmul.u32 $0x21, v5;
	v1 =	vsub.f32 v1, v6;
	v2 =	vsub.f32 v2, v7  }
0x36: {  	v8 =	vcvt.s32.f32 v3;
	v4 =	vmul.u32 $0x441, v4  }
0x37: {  	v3 =	vadd.s32 v3, v5;
	v5 =	vsub.f32 $1.000000000e+00, v1;
	v6 =	vsub.f32 $1.000000000e+00, v2  }
0x38: {  	v0 =	vsub.f32 v0, v8;
	v3 =	vadd.s32 v4, v3  }
0x39: {  	s30 =	simm.s32 $0x10;
	v9 =	vmul.f32 v6, v5  }
0x3a: {  	v10 =	vld [tilespmem:s30+$0x1A980];
	v8 =	vsub.f32 $1.000000000e+00, v0;
	v6 =	vmul.f32 v6, v1;
	v1 =	vmul.f32 v2, v1  }
0x3b: {  	v11 =	vld [tilespmem:s30+$0x1AD80];
	v4 =	vadd.s32 $0x1, v3;
	v2 =	vmul.f32 v5, v2  }
0x3c: {  	v7 =	vld [tilespmem:s30+$0x1A580];
	v5 =	vmul.f32 v9, v8;
	v15 =	vmul.f32 v1, v8  }
0x3d: {  	v12 =	vld.idx.msk [tilespmem:v3+s13+$0x0], $0xffff;
	v16 =	vmul.f32 v1, v0;
	v17 =	vmul.f32 v2, v8  }
0x3e: {  	v14 =	vadd.s32 $0x22, v3;
	v1 =	vld.idx.msk [tilespmem:v3+s12+$0x0], $0xffff;
	v18 =	vmul.f32 v2, v0;
	v9 =	vmul.f32 v9, v0  }
0x3f: {  	v8 =	vmul.f32 v6, v8;
	v6 =	vmul.f32 v6, v0;
	v0 =	vld.idx.msk [tilespmem:v3+s4+$0x0], $0xffff  }
0x40: {  	v19 =	vadd.s32 $0x21, v3;
	v13 =	vld.idx.msk [tilespmem:v4+s12+$0x0], $0xffff  }
0x41: {  	v2 =	vld.idx.msk [tilespmem:v4+s13+$0x0], $0xffff  }
0x42: {  	v20 =	vadd.s32 $0x442, v3;
	v4 =	vld.idx.msk [tilespmem:v4+s4+$0x0], $0xffff  }
0x43: {  	v10 =	vmul.f32 $3.200000000e+01, v10;
	v23 =	vadd.s32 $0x441, v3;
	v21 =	vld.idx.msk [tilespmem:v14+s13+$0x0], $0xffff  }
0x44: {  	v11 =	vmul.f32 $3.200000000e+01, v11;
	v22 =	vld.idx.msk [tilespmem:v14+s4+$0x0], $0xffff  }
0x45: {  	v27 =	vtrunc.f32 v10;
	v7 =	vmul.f32 $3.200000000e+01, v7;
	v26 =	vld.idx.msk [tilespmem:v19+s4+$0x0], $0xffff  }
0x46: {  	v29 =	vadd.s32 $0x463, v3;
	v31 =	vadd.s32 $0x462, v3;
	v3 =	vcvt.f32.s32 v27;
	v28 =	vld.idx.msk [tilespmem:v19+s13+$0x0], $0xffff  }
0x47: {  	v25 =	vtrunc.f32 v11;
	v24 =	vtrunc.f32 v7;
	v30 =	vld.idx.msk [tilespmem:v20+s13+$0x0], $0xffff  }
0x48: {  	v46 =	vld.idx.msk [tilespmem:v23+s4+$0x0], $0xffff;
	v24 =	vcvt.f32.s32 v24;
	v48 =	vcvt.s32.f32 v3  }
0x49: {  	v14 =	vld.idx.msk [tilespmem:v14+s12+$0x0], $0xffff;
	v12 =	vmul.f32 v5, v12;
	v1 =	vmul.f32 v5, v1  }
0x4a: {  	v32 =	vld.idx.msk [tilespmem:v23+s12+$0x0], $0xffff;
	v0 =	vmul.f32 v5, v0;
	v13 =	vmul.f32 v9, v13  }
0x4b: {  	v52 =	vld.idx.msk [tilespmem:v29+s4+$0x0], $0xffff;
	v2 =	vmul.f32 v9, v2;
	v4 =	vmul.f32 v9, v4  }
0x4c: {  	v57 =	vld.idx.msk [tilespmem:v29+s13+$0x0], $0xffff;
	v21 =	vmul.f32 v21, v6;
	v26 =	vmul.f32 v26, v8  }
0x4d: {  	v49 =	vmul.f32 v22, v6;
	v51 =	vmul.f32 v30, v18  }
0x4e: {  	v3 =	vmul.u32 $0x21, v3;
	v14 =	vmul.f32 v14, v6;
	v6 =	vmul.f32 v46, v17  }
0x4f: {  	v5 =	vld.idx.msk [tilespmem:v19+s12+$0x0], $0xffff;
	v55 =	vmul.f32 v28, v8;
	v56 =	vmul.f32 v32, v17;
	v1 =	vadd.f32 v13, v1  }
0x50: {  	v9 =	vld.idx.msk [tilespmem:v20+s4+$0x0], $0xffff;
	v13 =	vcvt.s32.f32 v24;
	v12 =	vadd.f32 v2, v12;
	v2 =	vcvt.f32.s32 v25  }
0x51: {  	v62 =	vmul.f32 v57, v16;
	v25 =	vmul.f32 v52, v16;
	v47 =	vadd.f32 $0.0e+00, v1  }
0x52: {  	v54 =	vld.idx.msk [tilespmem:v31+s13+$0x0], $0xffff;
	v1 =	vsub.f32 v7, v13;
	v7 =	vmul.u32 $0x441, v2;
	v13 =	vadd.f32 v4, v0  }
0x53: {  	v23 =	vld.idx.msk [tilespmem:v23+s13+$0x0], $0xffff;
	v4 =	vsub.f32 v10, v48;
	v0 =	vadd.s32 v24, v3;
	v50 =	vcvt.s32.f32 v2  }
0x54: {  	v10 =	vld.idx.msk [tilespmem:v20+s12+$0x0], $0xffff;
	v8 =	vmul.f32 v5, v8;
	v12 =	vadd.f32 $0.0e+00, v12;
	v2 =	vsub.f32 $1.000000000e+00, v1  }
0x55: {  	v33 =	vld.idx.msk [tilespmem:v31+s4+$0x0], $0xffff;
	v9 =	vmul.f32 v9, v18;
	v53 =	vsub.f32 $1.000000000e+00, v4;
	v13 =	vadd.f32 $0.0e+00, v13  }
0x56: {  	v0 =	vadd.s32 v7, v0;
	v7 =	vsub.f32 v11, v50;
	v11 =	vadd.f32 v49, v26  }
0x57: {  	v20 =	vmul.f32 v54, v15;
	v8 =	vadd.f32 v14, v8;
	v14 =	vadd.f32 v21, v55  }
0x58: {  	v3 =	vadd.s32 $0x1, v0;
	v59 =	vadd.f32 v9, v6;
	v9 =	vmul.f32 v23, v17;
	v17 =	vld.idx.msk [tilespmem:v31+s12+$0x0], $0xffff  }
0x59: {  	v58 =	vsub.f32 $1.000000000e+00, v7;
	v13 =	vadd.f32 v11, v13;
	v5 =	vmul.f32 v10, v18;
	v10 =	vld.idx.msk [tilespmem:v29+s12+$0x0], $0xffff  }
0x5a: {  	v11 =	vmul.f32 v33, v15;
	v19 =	vadd.f32 v8, v47;
	v63 =	vadd.f32 v14, v12  }
0x5b: {  	v12 =	vadd.f32 v62, v20;
	v8 =	vmul.f32 v53, v7;
	v61 =	vadd.f32 v51, v9  }
0x5c: {  	v6 =	vmul.f32 v58, v53;
	v9 =	vadd.f32 v25, v11;
	v60 =	vadd.f32 v5, v56  }
0x5d: {  	v5 =	vmul.f32 v58, v4;
	v14 =	vmul.f32 v17, v15;
	v15 =	vadd.f32 v61, v63  }
0x5e: {  	s1 =	simm.s32 $0x80;
	s0 =	simm.s32 $0xC0;
	v11 =	vmul.f32 v10, v16;
	v10 =	vadd.f32 v59, v13;
	v13 =	vadd.f32 v60, v19  }
.LBB2_3:
0x5f: {  	p1 =	sne.s32 s0, $0xFC0  }
0x60: {  	s6 =	sshra.s32 s1, $0x2;
	v4 =	vmul.f32 v7, v4;
	v7 =	vadd.f32 v11, v14;
	s1 =	smov.u32 s0;
	s0 =	sadd.s32 $0x40, s0  }
0x61: {  	v11 =	vmul.f32 v6, v2;
	v9 =	vadd.f32 v9, v10;
	v10 =	vadd.f32 v12, v15  }
0x62: {  	v7 =	vadd.f32 v7, v13  }
0x63: {  	v12 =	vld [tilespmem:s6+$0x1A580];
	[tilespmem:s31+$0x1C580] =	vst v10  }
0x64: {  	v10 =	vld [tilespmem:s6+$0x1A980];
	[tilespmem:s31+$0x1C180] =	vst v7  }
0x65: {  	v7 =	vld [tilespmem:s6+$0x1AD80];
	[tilespmem:s31+$0x1BD80] =	vst v9;
	s31 =	smov.u32 s30;
	s30 =	smov.u32 s6  }
0x66: {  	v9 =	vld.idx.msk [tilespmem:v3+s12+$0x0], $0xffff  }
0x67: {  	v14 =	vadd.s32 $0x22, v0;
	v13 =	vld.idx.msk [tilespmem:v0+s13+$0x0], $0xffff  }
0x68: {  	v15 =	vld.idx.msk [tilespmem:v0+s12+$0x0], $0xffff  }
0x69: {  	v17 =	vadd.s32 $0x21, v0;
	v18 =	vmul.f32 v4, v2;
	v19 =	vmul.f32 v4, v1;
	v16 =	vld.idx.msk [tilespmem:v3+s13+$0x0], $0xffff  }
0x6a: {  	v20 =	vmul.f32 v8, v2;
	v8 =	vmul.f32 v8, v1;
	v3 =	vld.idx.msk [tilespmem:v3+s4+$0x0], $0xffff  }
0x6b: {  	v21 =	vmul.f32 v5, v2;
	v4 =	vmul.f32 v6, v1;
	v2 =	vadd.s32 $0x442, v0;
	v6 =	vld.idx.msk [tilespmem:v0+s4+$0x0], $0xffff  }
0x6c: {  	v5 =	vmul.f32 v5, v1;
	v12 =	vmul.f32 $3.200000000e+01, v12;
	v22 =	vld.idx.msk [tilespmem:v14+s4+$0x0], $0xffff  }
0x6d: {  	v23 =	vadd.s32 $0x441, v0;
	v7 =	vmul.f32 $3.200000000e+01, v7;
	v1 =	vmul.f32 v11, v13;
	v13 =	vld.idx.msk [tilespmem:v14+s13+$0x0], $0xffff  }
0x6e: {  	v10 =	vmul.f32 $3.200000000e+01, v10;
	v9 =	vmul.f32 v4, v9;
	v24 =	vld.idx.msk [tilespmem:v17+s4+$0x0], $0xffff  }
0x6f: {  	v25 =	vtrunc.f32 v12;
	v26 =	vtrunc.f32 v7;
	v27 =	vld.idx.msk [tilespmem:v17+s13+$0x0], $0xffff  }
0x70: {  	v30 =	vadd.s32 $0x463, v0;
	v28 =	vtrunc.f32 v10;
	v15 =	vmul.f32 v11, v15;
	v29 =	vld.idx.msk [tilespmem:v2+s13+$0x0], $0xffff  }
0x71: {  	v32 =	vadd.s32 $0x462, v0;
	v25 =	vcvt.f32.s32 v25;
	v16 =	vmul.f32 v4, v16;
	v31 =	vld.idx.msk [tilespmem:v2+s4+$0x0], $0xffff  }
0x72: {  	v0 =	vcvt.f32.s32 v28;
	v3 =	vmul.f32 v4, v3;
	v4 =	vadd.f32 v9, v15;
	v9 =	vld.idx.msk [tilespmem:v23+s4+$0x0], $0xffff  }
0x73: {  	v15 =	vcvt.s32.f32 v25;
	v16 =	vadd.f32 v16, v1;
	v13 =	vmul.f32 v13, v5;
	v17 =	vld.idx.msk [tilespmem:v17+s12+$0x0], $0xffff  }
0x74: {  	v26 =	vcvt.f32.s32 v26;
	v6 =	vmul.f32 v11, v6;
	v11 =	vadd.f32 $0.0e+00, v4;
	v14 =	vld.idx.msk [tilespmem:v14+s12+$0x0], $0xffff  }
0x75: {  	v4 =	vcvt.s32.f32 v0;
	v0 =	vmul.u32 $0x21, v0;
	v24 =	vmul.f32 v24, v21;
	v28 =	vld.idx.msk [tilespmem:v2+s12+$0x0], $0xffff  }
0x76: {  	v1 =	vsub.f32 v12, v15;
	v6 =	vadd.f32 v3, v6;
	v2 =	vmul.u32 $0x441, v26;
	v12 =	vld.idx.msk [tilespmem:v23+s12+$0x0], $0xffff  }
0x77: {  	v4 =	vsub.f32 v10, v4;
	v0 =	vadd.s32 v25, v0;
	v10 =	vmul.f32 v22, v5;
	v15 =	vld.idx.msk [tilespmem:v23+s13+$0x0], $0xffff  }
0x78: {  	v22 =	vcvt.s32.f32 v26;
	v0 =	vadd.s32 v2, v0;
	v23 =	vmul.f32 v29, v8;
	v25 =	vld.idx.msk [tilespmem:v32+s4+$0x0], $0xffff  }
0x79: {  	v26 =	vmul.f32 v31, v8;
	v2 =	vsub.f32 $1.000000000e+00, v1;
	v3 =	vadd.s32 $0x1, v0;
	v29 =	vld.idx.msk [tilespmem:v30+s4+$0x0], $0xffff  }
0x7a: {  	v33 =	vadd.f32 $0.0e+00, v6;
	v31 =	vsub.f32 $1.000000000e+00, v4;
	v14 =	vmul.f32 v14, v5  }
0x7b: {  	v7 =	vsub.f32 v7, v22;
	v10 =	vadd.f32 v10, v24;
	v5 =	vmul.f32 v9, v20;
	v9 =	vld.idx.msk [tilespmem:v32+s13+$0x0], $0xffff  }
0x7c: {  	v22 =	vmul.f32 v27, v21;
	v12 =	vmul.f32 v12, v20;
	v24 =	vld.idx.msk [tilespmem:v30+s13+$0x0], $0xffff  }
0x7d: {  	v27 =	vsub.f32 $1.000000000e+00, v7;
	v17 =	vmul.f32 v17, v21;
	v8 =	vmul.f32 v28, v8;
	v21 =	vld.idx.msk [tilespmem:v30+s12+$0x0], $0xffff  }
0x7e: {  	v16 =	vadd.f32 $0.0e+00, v16;
	v26 =	vadd.f32 v26, v5;
	v15 =	vmul.f32 v15, v20;
	v20 =	vld.idx.msk [tilespmem:v32+s12+$0x0], $0xffff  }
0x7f: {  	v6 =	vmul.f32 v27, v31;
	v28 =	vadd.f32 v8, v12;
	v8 =	vmul.f32 v29, v19  }
0x80: {  	v10 =	vadd.f32 v10, v33;
	v5 =	vmul.f32 v27, v4;
	v12 =	vmul.f32 v25, v18  }
.Ltmp0:
0x81: {  	v13 =	vadd.f32 v13, v22;
	v14 =	vadd.f32 v14, v17;
	v17 =	vmul.f32 v9, v18;
	(pc) =	sbr.rel @p1 .LBB2_3-.Ltmp0, $4  }
0x82: {  	v15 =	vadd.f32 v23, v15;
	v9 =	vadd.f32 v8, v12;
	v8 =	vmul.f32 v24, v19  }
0x83: {  	v16 =	vadd.f32 v13, v16;
	v22 =	vadd.f32 v14, v11;
	v11 =	vmul.f32 v21, v19  }
0x84: {  	v10 =	vadd.f32 v26, v10;
	v14 =	vmul.f32 v20, v18;
	v12 =	vadd.f32 v8, v17  }
0x85: {  	v13 =	vadd.f32 v28, v22;
	v15 =	vadd.f32 v15, v16;
	v8 =	vmul.f32 v31, v7  }
0x86: {  	v11 =	vadd.f32 v11, v14  }
0x87: {  	v12 =	vadd.f32 v12, v15  }
0x88: {  	s0 =	sshra.s32 s1, $0x2;
	v11 =	vadd.f32 v11, v13  }
0x89: {  	v9 =	vadd.f32 v9, v10;
	v45 =	vld [tilespmem:s0+$0x1A580];
	[tilespmem:s31+$0x1C580] =	vst v12  }
0x8a: {  	v12 =	vld [tilespmem:s0+$0x1A980];
	[tilespmem:s31+$0x1C180] =	vst v11  }
0x8b: {  	v46 =	vld [tilespmem:s0+$0x1AD80];
	[tilespmem:s31+$0x1BD80] =	vst v9  }
0x8c: {  	v9 =	vld.idx.msk [tilespmem:v3+s12+$0x0], $0xffff  }
0x8d: {  	v47 =	vadd.s32 $0x22, v0;
	v11 =	vld.idx.msk [tilespmem:v0+s13+$0x0], $0xffff  }
0x8e: {  	v48 =	vld.idx.msk [tilespmem:v0+s12+$0x0], $0xffff  }
0x8f: {  	v17 =	vadd.s32 $0x21, v0;
	v16 =	vld.idx.msk [tilespmem:v3+s13+$0x0], $0xffff  }
0x90: {  	v49 =	vld.idx.msk [tilespmem:v3+s4+$0x0], $0xffff  }
0x91: {  	v18 =	vadd.s32 $0x442, v0;
	v50 =	vld.idx.msk [tilespmem:v0+s4+$0x0], $0xffff  }
0x92: {  	v21 =	vld.idx.msk [tilespmem:v47+s4+$0x0], $0xffff  }
0x93: {  	v24 =	vadd.s32 $0x441, v0;
	v23 =	vld.idx.msk [tilespmem:v47+s13+$0x0], $0xffff  }
0x94: {  	v4 =	vmul.f32 v7, v4;
	v19 =	vmul.f32 v6, v2;
	v25 =	vld.idx.msk [tilespmem:v17+s4+$0x0], $0xffff  }
0x95: {  	v52 =	vmul.f32 v6, v1;
	v53 =	vmul.f32 v5, v2;
	v26 =	vld.idx.msk [tilespmem:v17+s13+$0x0], $0xffff  }
0x96: {  	v54 =	vmul.f32 v5, v1;
	v22 =	vmul.f32 v8, v2;
	v55 =	vld.idx.msk [tilespmem:v18+s13+$0x0], $0xffff  }
0x97: {  	v51 =	vmul.f32 v8, v1;
	v14 =	vmul.f32 $3.200000000e+01, v45;
	v27 =	vld.idx.msk [tilespmem:v18+s4+$0x0], $0xffff  }
0x98: {  	v32 =	vadd.s32 $0x462, v0;
	v20 =	vmul.f32 v4, v2;
	v4 =	vmul.f32 v4, v1;
	v29 =	vld.idx.msk [tilespmem:v24+s4+$0x0], $0xffff  }
0x99: {  	v56 =	vadd.s32 $0x463, v0;
	v17 =	vld.idx.msk [tilespmem:v17+s12+$0x0], $0xffff;
	v28 =	vtrunc.f32 v14;
	v12 =	vmul.f32 $3.200000000e+01, v12  }
0x9a: {  	v13 =	vld.idx.msk [tilespmem:v47+s12+$0x0], $0xffff;
	v28 =	vcvt.f32.s32 v28;
	v5 =	vmul.f32 $3.200000000e+01, v46  }
0x9b: {  	v18 =	vld.idx.msk [tilespmem:v18+s12+$0x0], $0xffff;
	v11 =	vmul.f32 v19, v11;
	v9 =	vmul.f32 v52, v9  }
0x9c: {  	v61 =	vld.idx.msk [tilespmem:v24+s13+$0x0], $0xffff;
	v31 =	vtrunc.f32 v12;
	v15 =	vmul.f32 v19, v48  }
0x9d: {  	v33 =	vld.idx.msk [tilespmem:v32+s4+$0x0], $0xffff;
	v16 =	vmul.f32 v52, v16;
	v3 =	vmul.f32 v52, v49  }
0x9e: {  	v35 =	vld.idx.msk [tilespmem:v56+s4+$0x0], $0xffff;
	v58 =	vmul.f32 v23, v54;
	v7 =	vmul.f32 v19, v50  }
0x9f: {  	v36 =	vld.idx.msk [tilespmem:v32+s13+$0x0], $0xffff;
	v63 =	vmul.f32 v25, v53;
	v34 =	vmul.f32 v21, v54  }
0xa0: {  	v38 =	vld.idx.msk [tilespmem:v56+s13+$0x0], $0xffff;
	v10 =	vmul.f32 v55, v51;
	v27 =	vmul.f32 v27, v51  }
0xa1: {  	v0 =	vld.idx.msk [tilespmem:v56+s12+$0x0], $0xffff;
	v1 =	vmul.f32 v13, v54;
	v37 =	vmul.f32 v29, v22  }
0xa2: {  	v40 =	vld.idx.msk [tilespmem:v32+s12+$0x0], $0xffff;
	v26 =	vmul.f32 v26, v53;
	v8 =	vmul.f32 v18, v51  }
0xa3: {  	v2 =	vmul.f32 v17, v53;
	v19 =	vmul.f32 v61, v22  }
0xa4: {  	v41 =	vmul.f32 v35, v4;
	v42 =	vmul.f32 v33, v20  }
0xa5: {  	v43 =	vmul.f32 v36, v20;
	v44 =	vmul.f32 v38, v4  }
0xa6: {  	v59 =	vld.idx.msk [tilespmem:v24+s12+$0x0], $0xffff;
	v0 =	vmul.f32 v0, v4;
	v57 =	vadd.f32 v9, v15;
	v11 =	vadd.f32 v16, v11  }
0xa7: {  	v45 =	vmul.f32 v40, v20;
	v3 =	vadd.f32 v3, v7;
	v7 =	vadd.f32 v34, v63  }
0xa8: {  	v30 =	vtrunc.f32 v5;
	v39 =	vadd.f32 v27, v37;
	v9 =	vadd.f32 v58, v26  }
0xa9: {  	v31 =	vcvt.f32.s32 v31;
	v1 =	vadd.f32 v1, v2;
	v10 =	vadd.f32 v10, v19  }
0xaa: {  	v60 =	vcvt.f32.s32 v30;
	v2 =	vadd.f32 v44, v43;
	v11 =	vadd.f32 $0.0e+00, v11  }
0xab: {  	v15 =	vmul.f32 v59, v22;
	v0 =	vadd.f32 v0, v45;
	v6 =	vadd.f32 $0.0e+00, v57  }
0xac: {  	v62 =	vmul.u32 $0x21, v31;
	v3 =	vadd.f32 $0.0e+00, v3;
	v9 =	vadd.f32 v9, v11  }
0xad: {  	v30 =	vmul.u32 $0x441, v60;
	v8 =	vadd.f32 v8, v15;
	v1 =	vadd.f32 v1, v6  }
0xae: {  	v46 =	vadd.s32 v28, v62;
	v3 =	vadd.f32 v7, v3;
	v9 =	vadd.f32 v10, v9  }
0xaf: {  	v7 =	vadd.f32 v41, v42;
	v6 =	vadd.s32 v30, v46;
	v1 =	vadd.f32 v8, v1  }
0xb0: {  	v47 =	vadd.s32 $0x1, v6;
	v3 =	vadd.f32 v39, v3;
	v2 =	vadd.f32 v2, v9  }
0xb1: {  	v0 =	vadd.f32 v0, v1  }
0xb2: {  	v48 =	vadd.f32 v7, v3;
	[tilespmem:s30+$0x1C580] =	vst v2  }
0xb3: {  	[tilespmem:s30+$0x1C180] =	vst v0  }
0xb4: {  	[tilespmem:s30+$0x1BD80] =	vst v48  }
0xb5: {  	v0 =	vld.idx.msk [tilespmem:v47+s12+$0x0], $0xffff  }
0xb6: {  	v52 =	vcvt.s32.f32 v60;
	v49 =	vadd.s32 $0x22, v6;
	v1 =	vld.idx.msk [tilespmem:v6+s13+$0x0], $0xffff  }
0xb7: {  	v51 =	vcvt.s32.f32 v31;
	v50 =	vld.idx.msk [tilespmem:v6+s12+$0x0], $0xffff  }
0xb8: {  	v55 =	vcvt.s32.f32 v28;
	v5 =	vsub.f32 v5, v52;
	v54 =	vadd.s32 $0x21, v6;
	v53 =	vld.idx.msk [tilespmem:v47+s13+$0x0], $0xffff  }
0xb9: {  	v7 =	vsub.f32 v12, v51;
	v4 =	vld.idx.msk [tilespmem:v47+s4+$0x0], $0xffff  }
0xba: {  	v11 =	vsub.f32 v14, v55;
	v57 =	vadd.s32 $0x442, v6;
	v60 =	vsub.f32 $1.000000000e+00, v5;
	v56 =	vld.idx.msk [tilespmem:v6+s4+$0x0], $0xffff  }
0xbb: {  	v62 =	vadd.s32 $0x441, v6;
	v59 =	vsub.f32 $1.000000000e+00, v7;
	v58 =	vld.idx.msk [tilespmem:v49+s4+$0x0], $0xffff  }
0xbc: {  	v30 =	vsub.f32 $1.000000000e+00, v11;
	v32 =	vmul.f32 v5, v7;
	v7 =	vmul.f32 v60, v7;
	v61 =	vld.idx.msk [tilespmem:v49+s13+$0x0], $0xffff  }
0xbd: {  	v63 =	vld.idx.msk [tilespmem:v54+s4+$0x0], $0xffff;
	v31 =	vmul.f32 v60, v59;
	v5 =	vmul.f32 v59, v5  }
0xbe: {  	v33 =	vld.idx.msk [tilespmem:v54+s13+$0x0], $0xffff;
	v36 =	vmul.f32 v32, v30;
	v21 =	vmul.f32 v32, v11  }
0xbf: {  	v34 =	vld.idx.msk [tilespmem:v57+s13+$0x0], $0xffff;
	v19 =	vmul.f32 v7, v30;
	v7 =	vmul.f32 v7, v11  }
0xc0: {  	v37 =	vld.idx.msk [tilespmem:v57+s4+$0x0], $0xffff;
	v35 =	vmul.f32 v31, v30;
	v20 =	vmul.f32 v31, v11  }
0xc1: {  	v39 =	vld.idx.msk [tilespmem:v62+s4+$0x0], $0xffff;
	v38 =	vmul.f32 v5, v30;
	v5 =	vmul.f32 v5, v11  }
0xc2: {  	v40 =	vadd.s32 $0x462, v6;
	v2 =	vld.idx.msk [tilespmem:v49+s12+$0x0], $0xffff;
	v0 =	vmul.f32 v20, v0;
	v3 =	vmul.f32 v35, v50  }
0xc3: {  	v41 =	vld.idx.msk [tilespmem:v57+s12+$0x0], $0xffff;
	v1 =	vmul.f32 v35, v1;
	v9 =	vmul.f32 v20, v53  }
0xc4: {  	v42 =	vld.idx.msk [tilespmem:v62+s12+$0x0], $0xffff;
	v4 =	vmul.f32 v20, v4;
	v43 =	vmul.f32 v35, v56  }
0xc5: {  	v10 =	vld.idx.msk [tilespmem:v54+s12+$0x0], $0xffff;
	v6 =	vadd.s32 $0x463, v6;
	v45 =	vmul.f32 v61, v7;
	v46 =	vmul.f32 v63, v19  }
0xc6: {  	v44 =	vld.idx.msk [tilespmem:v62+s13+$0x0], $0xffff;
	v48 =	vmul.f32 v58, v7;
	v49 =	vmul.f32 v34, v5  }
0xc7: {  	v47 =	vld.idx.msk [tilespmem:v40+s4+$0x0], $0xffff;
	v51 =	vmul.f32 v37, v5;
	v2 =	vmul.f32 v2, v7  }
0xc8: {  	v52 =	vld.idx.msk [tilespmem:v40+s13+$0x0], $0xffff;
	v53 =	vmul.f32 v39, v38;
	v54 =	vmul.f32 v33, v19  }
0xc9: {  	v57 =	vld.idx.msk [tilespmem:v40+s12+$0x0], $0xffff;
	v12 =	vmul.f32 v42, v38;
	v5 =	vmul.f32 v41, v5  }
0xca: {  	v50 =	vld.idx.msk [tilespmem:v6+s4+$0x0], $0xffff;
	v10 =	vmul.f32 v10, v19;
	v0 =	vadd.f32 v0, v3;
	v1 =	vadd.f32 v9, v1  }
0xcb: {  	v55 =	vld.idx.msk [tilespmem:v6+s13+$0x0], $0xffff;
	v8 =	vmul.f32 v44, v38;
	v3 =	vadd.f32 v4, v43;
	v4 =	vadd.f32 v48, v46  }
0xcc: {  	v6 =	vld.idx.msk [tilespmem:v6+s12+$0x0], $0xffff;
	v59 =	vmul.f32 v47, v36;
	v56 =	vadd.f32 v51, v53;
	v5 =	vadd.f32 v5, v12  }
0xcd: {  	v7 =	vmul.f32 v52, v36;
	v9 =	vadd.f32 v45, v54;
	v2 =	vadd.f32 v2, v10  }
0xce: {  	v62 =	vmul.f32 v57, v36;
	v3 =	vadd.f32 $0.0e+00, v3;
	v1 =	vadd.f32 $0.0e+00, v1  }
0xcf: {  	v8 =	vadd.f32 v49, v8;
	v0 =	vadd.f32 $0.0e+00, v0;
	v58 =	vmul.f32 v50, v21  }
0xd0: {  	v60 =	vmul.f32 v55, v21;
	v3 =	vadd.f32 v4, v3;
	v1 =	vadd.f32 v9, v1  }
0xd1: {  	v61 =	vmul.f32 v6, v21;
	v0 =	vadd.f32 v2, v0;
	v4 =	vadd.f32 v58, v59  }
0xd2: {  	v7 =	vadd.f32 v60, v7;
	v1 =	vadd.f32 v8, v1  }
0xd3: {  	v2 =	vadd.f32 v61, v62;
	v0 =	vadd.f32 v5, v0  }
0xd4: {  	p1 =	sne.s32 s25, $0x1F;
	v3 =	vadd.f32 v56, v3;
	v1 =	vadd.f32 v7, v1  }
.Ltmp1:
0xd5: {  	v0 =	vadd.f32 v2, v0;
	(pc) =	sbr.rel @p1 .LBB2_6-.Ltmp1, $4  }
0xd6: {  	v63 =	vadd.f32 v4, v3;
	[tilespmem:s0+$0x1C580] =	vst v1  }
0xd7: {  	[tilespmem:s0+$0x1C180] =	vst v0  }
0xd8: {  	s31 =	sadd.s32 s3, s29;
	[tilespmem:s0+$0x1BD80] =	vst v63  }
0xd9: {  	[hbm4b:s31+s14] =	stream.strided.scatter [tilespmem:s19], [sflag:$0x3], $0xC00, s15, s14, $0x38;
	[tilespmem:$0x1D580] =	vst v63  }
.Ltmp2:
0xda: {  	(pc) =	sbr.rel .LBB2_7-.Ltmp2, $4  }
0xdb: {  	_ = 	snop  }
0xdc: {  	_ =	swait.ge [sflag:s20], $0xC00  }
0xdd: {  	[sflag:s20] =	ssyncset.done $0x0  }
0xde: {  	[sflag:s20] =	ssyncadd.s32 $0xFFFFF400  }
.LBB2_6:
0xdf: {  	s0 =	sadd.s32 $0x800, s28  }
0xe0: {  	s1 =	sand.u32 $0x1F000, s0  }
0xe1: {  	s0 =	sand.u32 $0x800, s0;
	s1 =	sadd.s32 s1, s5  }
0xe2: {  	s0 =	sor.u32 s0, s1  }
0xe3: {  	s0 =	sshrl.u32 s0, $0x3  }
.Ltmp3:
0xe4: {  	s0 =	sadd.s32 s2, s0;
	(pc) =	sbr.rel @p0 .LBB2_8-.Ltmp3, $4  }
0xe5: {  	[tilespmem:s16], [sflag:$0x1] =	stream.strided.gather [hbm4b:s0+s14], $0xC00, s15, s14, $0x38;
	[tilespmem:$0x1D580] =	vst v63  }
0xe6: {  	_ =	swait.ge [sflag:s20], $0xC00  }
0xe7: {  	[sflag:s20] =	ssyncset.done $0x0  }
0xe8: {  	[sflag:s20] =	ssyncadd.s32 $0xFFFFF400  }
.LBB2_7:
0xe9: {  	_ =	swait.ge [sflag:s21], $0xC00  }
0xea: {  	[sflag:s21] =	ssyncset.done $0x0  }
0xeb: {  	[sflag:s21] =	ssyncadd.s32 $0xFFFFF400  }
.LBB2_8:
0xec: {  	s29 =	simm.s32 $0x0  }
0xed: {  	v1 =	vld [tilespmem:s29+$0x1B580]  }
0xee: {  	v2 =	vld [tilespmem:s29+$0x1B980]  }
0xef: {  	v0 =	vld [tilespmem:s29+$0x1B180];
	_ =	sdelay $0x3  }
0xf0: {  	v2 =	vmul.f32 $3.200000000e+01, v2;
	v1 =	vmul.f32 $3.200000000e+01, v1  }
0xf1: {  	v0 =	vmul.f32 $3.200000000e+01, v0  }
0xf2: {  	v4 =	vtrunc.f32 v2;
	v5 =	vtrunc.f32 v1  }
0xf3: {  	v5 =	vcvt.f32.s32 v5;
	v4 =	vcvt.f32.s32 v4  }
0xf4: {  	v3 =	vtrunc.f32 v0  }
0xf5: {  	v6 =	vcvt.s32.f32 v5;
	v7 =	vcvt.s32.f32 v4  }
0xf6: {  	v3 =	vcvt.f32.s32 v3  }
0xf7: {  	v5 =	vmul.u32 $0x21, v5;
	v1 =	vsub.f32 v1, v6;
	v2 =	vsub.f32 v2, v7  }
0xf8: {  	v8 =	vcvt.s32.f32 v3;
	v4 =	vmul.u32 $0x441, v4  }
0xf9: {  	v3 =	vadd.s32 v3, v5;
	v5 =	vsub.f32 $1.000000000e+00, v1;
	v6 =	vsub.f32 $1.000000000e+00, v2  }
0xfa: {  	v0 =	vsub.f32 v0, v8;
	v3 =	vadd.s32 v4, v3  }
0xfb: {  	s28 =	simm.s32 $0x10;
	v9 =	vmul.f32 v6, v5  }
0xfc: {  	v10 =	vld [tilespmem:s28+$0x1B580];
	v8 =	vsub.f32 $1.000000000e+00, v0;
	v6 =	vmul.f32 v6, v1;
	v1 =	vmul.f32 v2, v1  }
0xfd: {  	v11 =	vld [tilespmem:s28+$0x1B980];
	v4 =	vadd.s32 $0x1, v3;
	v2 =	vmul.f32 v5, v2  }
0xfe: {  	v7 =	vld [tilespmem:s28+$0x1B180];
	v5 =	vmul.f32 v9, v8;
	v15 =	vmul.f32 v1, v8  }
0xff: {  	v12 =	vld.idx.msk [tilespmem:v3+s13+$0x0], $0xffff;
	v16 =	vmul.f32 v1, v0;
	v17 =	vmul.f32 v2, v8  }
0x100: {  	v14 =	vadd.s32 $0x22, v3;
	v1 =	vld.idx.msk [tilespmem:v3+s12+$0x0], $0xffff;
	v18 =	vmul.f32 v2, v0;
	v9 =	vmul.f32 v9, v0  }
0x101: {  	v8 =	vmul.f32 v6, v8;
	v6 =	vmul.f32 v6, v0;
	v0 =	vld.idx.msk [tilespmem:v3+s4+$0x0], $0xffff  }
0x102: {  	v19 =	vadd.s32 $0x21, v3;
	v13 =	vld.idx.msk [tilespmem:v4+s12+$0x0], $0xffff  }
0x103: {  	v2 =	vld.idx.msk [tilespmem:v4+s13+$0x0], $0xffff  }
0x104: {  	v20 =	vadd.s32 $0x442, v3;
	v4 =	vld.idx.msk [tilespmem:v4+s4+$0x0], $0xffff  }
0x105: {  	v10 =	vmul.f32 $3.200000000e+01, v10;
	v23 =	vadd.s32 $0x441, v3;
	v21 =	vld.idx.msk [tilespmem:v14+s13+$0x0], $0xffff  }
0x106: {  	v11 =	vmul.f32 $3.200000000e+01, v11;
	v22 =	vld.idx.msk [tilespmem:v14+s4+$0x0], $0xffff  }
0x107: {  	v27 =	vtrunc.f32 v10;
	v7 =	vmul.f32 $3.200000000e+01, v7;
	v26 =	vld.idx.msk [tilespmem:v19+s4+$0x0], $0xffff  }
0x108: {  	v29 =	vadd.s32 $0x463, v3;
	v31 =	vadd.s32 $0x462, v3;
	v3 =	vcvt.f32.s32 v27;
	v28 =	vld.idx.msk [tilespmem:v19+s13+$0x0], $0xffff  }
0x109: {  	v25 =	vtrunc.f32 v11;
	v24 =	vtrunc.f32 v7;
	v30 =	vld.idx.msk [tilespmem:v20+s13+$0x0], $0xffff  }
0x10a: {  	v46 =	vld.idx.msk [tilespmem:v23+s4+$0x0], $0xffff;
	v24 =	vcvt.f32.s32 v24;
	v48 =	vcvt.s32.f32 v3  }
0x10b: {  	v14 =	vld.idx.msk [tilespmem:v14+s12+$0x0], $0xffff;
	v12 =	vmul.f32 v5, v12;
	v1 =	vmul.f32 v5, v1  }
0x10c: {  	v32 =	vld.idx.msk [tilespmem:v23+s12+$0x0], $0xffff;
	v0 =	vmul.f32 v5, v0;
	v13 =	vmul.f32 v9, v13  }
0x10d: {  	v52 =	vld.idx.msk [tilespmem:v29+s4+$0x0], $0xffff;
	v2 =	vmul.f32 v9, v2;
	v4 =	vmul.f32 v9, v4  }
0x10e: {  	v57 =	vld.idx.msk [tilespmem:v29+s13+$0x0], $0xffff;
	v21 =	vmul.f32 v21, v6;
	v26 =	vmul.f32 v26, v8  }
0x10f: {  	v49 =	vmul.f32 v22, v6;
	v51 =	vmul.f32 v30, v18  }
0x110: {  	v3 =	vmul.u32 $0x21, v3;
	v14 =	vmul.f32 v14, v6;
	v6 =	vmul.f32 v46, v17  }
0x111: {  	v5 =	vld.idx.msk [tilespmem:v19+s12+$0x0], $0xffff;
	v55 =	vmul.f32 v28, v8;
	v56 =	vmul.f32 v32, v17;
	v1 =	vadd.f32 v13, v1  }
0x112: {  	v9 =	vld.idx.msk [tilespmem:v20+s4+$0x0], $0xffff;
	v13 =	vcvt.s32.f32 v24;
	v12 =	vadd.f32 v2, v12;
	v2 =	vcvt.f32.s32 v25  }
0x113: {  	v62 =	vmul.f32 v57, v16;
	v25 =	vmul.f32 v52, v16;
	v47 =	vadd.f32 $0.0e+00, v1  }
0x114: {  	v54 =	vld.idx.msk [tilespmem:v31+s13+$0x0], $0xffff;
	v1 =	vsub.f32 v7, v13;
	v7 =	vmul.u32 $0x441, v2;
	v13 =	vadd.f32 v4, v0  }
0x115: {  	v23 =	vld.idx.msk [tilespmem:v23+s13+$0x0], $0xffff;
	v4 =	vsub.f32 v10, v48;
	v0 =	vadd.s32 v24, v3;
	v50 =	vcvt.s32.f32 v2  }
0x116: {  	v10 =	vld.idx.msk [tilespmem:v20+s12+$0x0], $0xffff;
	v8 =	vmul.f32 v5, v8;
	v12 =	vadd.f32 $0.0e+00, v12;
	v2 =	vsub.f32 $1.000000000e+00, v1  }
0x117: {  	v33 =	vld.idx.msk [tilespmem:v31+s4+$0x0], $0xffff;
	v9 =	vmul.f32 v9, v18;
	v53 =	vsub.f32 $1.000000000e+00, v4;
	v13 =	vadd.f32 $0.0e+00, v13  }
0x118: {  	v0 =	vadd.s32 v7, v0;
	v7 =	vsub.f32 v11, v50;
	v11 =	vadd.f32 v49, v26  }
0x119: {  	v20 =	vmul.f32 v54, v15;
	v8 =	vadd.f32 v14, v8;
	v14 =	vadd.f32 v21, v55  }
0x11a: {  	v3 =	vadd.s32 $0x1, v0;
	v59 =	vadd.f32 v9, v6;
	v9 =	vmul.f32 v23, v17;
	v17 =	vld.idx.msk [tilespmem:v31+s12+$0x0], $0xffff  }
0x11b: {  	v58 =	vsub.f32 $1.000000000e+00, v7;
	v13 =	vadd.f32 v11, v13;
	v5 =	vmul.f32 v10, v18;
	v10 =	vld.idx.msk [tilespmem:v29+s12+$0x0], $0xffff  }
0x11c: {  	v11 =	vmul.f32 v33, v15;
	v19 =	vadd.f32 v8, v47;
	v63 =	vadd.f32 v14, v12  }
0x11d: {  	v12 =	vadd.f32 v62, v20;
	v8 =	vmul.f32 v53, v7;
	v61 =	vadd.f32 v51, v9  }
0x11e: {  	v6 =	vmul.f32 v58, v53;
	v9 =	vadd.f32 v25, v11;
	v60 =	vadd.f32 v5, v56  }
0x11f: {  	v5 =	vmul.f32 v58, v4;
	v14 =	vmul.f32 v17, v15;
	v15 =	vadd.f32 v61, v63  }
0x120: {  	s1 =	simm.s32 $0x80;
	s0 =	simm.s32 $0xC0;
	v11 =	vmul.f32 v10, v16;
	v10 =	vadd.f32 v59, v13;
	v13 =	vadd.f32 v60, v19  }
.LBB2_9:
0x121: {  	p0 =	sne.s32 s0, $0xFC0  }
0x122: {  	s6 =	sshra.s32 s1, $0x2;
	v4 =	vmul.f32 v7, v4;
	v7 =	vadd.f32 v11, v14;
	s1 =	smov.u32 s0;
	s0 =	sadd.s32 $0x40, s0  }
0x123: {  	v11 =	vmul.f32 v6, v2;
	v9 =	vadd.f32 v9, v10;
	v10 =	vadd.f32 v12, v15  }
0x124: {  	v7 =	vadd.f32 v7, v13  }
0x125: {  	v12 =	vld [tilespmem:s6+$0x1B180];
	[tilespmem:s29+$0x1D180] =	vst v10  }
0x126: {  	v10 =	vld [tilespmem:s6+$0x1B580];
	[tilespmem:s29+$0x1CD80] =	vst v7  }
0x127: {  	v7 =	vld [tilespmem:s6+$0x1B980];
	[tilespmem:s29+$0x1C980] =	vst v9;
	s29 =	smov.u32 s28;
	s28 =	smov.u32 s6  }
0x128: {  	v9 =	vld.idx.msk [tilespmem:v3+s12+$0x0], $0xffff  }
0x129: {  	v14 =	vadd.s32 $0x22, v0;
	v13 =	vld.idx.msk [tilespmem:v0+s13+$0x0], $0xffff  }
0x12a: {  	v15 =	vld.idx.msk [tilespmem:v0+s12+$0x0], $0xffff  }
0x12b: {  	v17 =	vadd.s32 $0x21, v0;
	v18 =	vmul.f32 v4, v2;
	v19 =	vmul.f32 v4, v1;
	v16 =	vld.idx.msk [tilespmem:v3+s13+$0x0], $0xffff  }
0x12c: {  	v20 =	vmul.f32 v8, v2;
	v8 =	vmul.f32 v8, v1;
	v3 =	vld.idx.msk [tilespmem:v3+s4+$0x0], $0xffff  }
0x12d: {  	v21 =	vmul.f32 v5, v2;
	v4 =	vmul.f32 v6, v1;
	v2 =	vadd.s32 $0x442, v0;
	v6 =	vld.idx.msk [tilespmem:v0+s4+$0x0], $0xffff  }
0x12e: {  	v5 =	vmul.f32 v5, v1;
	v12 =	vmul.f32 $3.200000000e+01, v12;
	v22 =	vld.idx.msk [tilespmem:v14+s4+$0x0], $0xffff  }
0x12f: {  	v23 =	vadd.s32 $0x441, v0;
	v7 =	vmul.f32 $3.200000000e+01, v7;
	v1 =	vmul.f32 v11, v13;
	v13 =	vld.idx.msk [tilespmem:v14+s13+$0x0], $0xffff  }
0x130: {  	v10 =	vmul.f32 $3.200000000e+01, v10;
	v9 =	vmul.f32 v4, v9;
	v24 =	vld.idx.msk [tilespmem:v17+s4+$0x0], $0xffff  }
0x131: {  	v25 =	vtrunc.f32 v12;
	v26 =	vtrunc.f32 v7;
	v27 =	vld.idx.msk [tilespmem:v17+s13+$0x0], $0xffff  }
0x132: {  	v30 =	vadd.s32 $0x463, v0;
	v28 =	vtrunc.f32 v10;
	v15 =	vmul.f32 v11, v15;
	v29 =	vld.idx.msk [tilespmem:v2+s13+$0x0], $0xffff  }
0x133: {  	v32 =	vadd.s32 $0x462, v0;
	v25 =	vcvt.f32.s32 v25;
	v16 =	vmul.f32 v4, v16;
	v31 =	vld.idx.msk [tilespmem:v2+s4+$0x0], $0xffff  }
0x134: {  	v0 =	vcvt.f32.s32 v28;
	v3 =	vmul.f32 v4, v3;
	v4 =	vadd.f32 v9, v15;
	v9 =	vld.idx.msk [tilespmem:v23+s4+$0x0], $0xffff  }
0x135: {  	v15 =	vcvt.s32.f32 v25;
	v16 =	vadd.f32 v16, v1;
	v13 =	vmul.f32 v13, v5;
	v17 =	vld.idx.msk [tilespmem:v17+s12+$0x0], $0xffff  }
0x136: {  	v26 =	vcvt.f32.s32 v26;
	v6 =	vmul.f32 v11, v6;
	v11 =	vadd.f32 $0.0e+00, v4;
	v14 =	vld.idx.msk [tilespmem:v14+s12+$0x0], $0xffff  }
0x137: {  	v4 =	vcvt.s32.f32 v0;
	v0 =	vmul.u32 $0x21, v0;
	v24 =	vmul.f32 v24, v21;
	v28 =	vld.idx.msk [tilespmem:v2+s12+$0x0], $0xffff  }
0x138: {  	v1 =	vsub.f32 v12, v15;
	v6 =	vadd.f32 v3, v6;
	v2 =	vmul.u32 $0x441, v26;
	v12 =	vld.idx.msk [tilespmem:v23+s12+$0x0], $0xffff  }
0x139: {  	v4 =	vsub.f32 v10, v4;
	v0 =	vadd.s32 v25, v0;
	v10 =	vmul.f32 v22, v5;
	v15 =	vld.idx.msk [tilespmem:v23+s13+$0x0], $0xffff  }
0x13a: {  	v22 =	vcvt.s32.f32 v26;
	v0 =	vadd.s32 v2, v0;
	v23 =	vmul.f32 v29, v8;
	v25 =	vld.idx.msk [tilespmem:v32+s4+$0x0], $0xffff  }
0x13b: {  	v26 =	vmul.f32 v31, v8;
	v2 =	vsub.f32 $1.000000000e+00, v1;
	v3 =	vadd.s32 $0x1, v0;
	v29 =	vld.idx.msk [tilespmem:v30+s4+$0x0], $0xffff  }
0x13c: {  	v33 =	vadd.f32 $0.0e+00, v6;
	v31 =	vsub.f32 $1.000000000e+00, v4;
	v14 =	vmul.f32 v14, v5  }
0x13d: {  	v7 =	vsub.f32 v7, v22;
	v10 =	vadd.f32 v10, v24;
	v5 =	vmul.f32 v9, v20;
	v9 =	vld.idx.msk [tilespmem:v32+s13+$0x0], $0xffff  }
0x13e: {  	v22 =	vmul.f32 v27, v21;
	v12 =	vmul.f32 v12, v20;
	v24 =	vld.idx.msk [tilespmem:v30+s13+$0x0], $0xffff  }
0x13f: {  	v27 =	vsub.f32 $1.000000000e+00, v7;
	v17 =	vmul.f32 v17, v21;
	v8 =	vmul.f32 v28, v8;
	v21 =	vld.idx.msk [tilespmem:v30+s12+$0x0], $0xffff  }
0x140: {  	v16 =	vadd.f32 $0.0e+00, v16;
	v26 =	vadd.f32 v26, v5;
	v15 =	vmul.f32 v15, v20;
	v20 =	vld.idx.msk [tilespmem:v32+s12+$0x0], $0xffff  }
0x141: {  	v6 =	vmul.f32 v27, v31;
	v28 =	vadd.f32 v8, v12;
	v8 =	vmul.f32 v29, v19  }
0x142: {  	v10 =	vadd.f32 v10, v33;
	v5 =	vmul.f32 v27, v4;
	v12 =	vmul.f32 v25, v18  }
.Ltmp4:
0x143: {  	v13 =	vadd.f32 v13, v22;
	v14 =	vadd.f32 v14, v17;
	v17 =	vmul.f32 v9, v18;
	(pc) =	sbr.rel @p0 .LBB2_9-.Ltmp4, $4  }
0x144: {  	v15 =	vadd.f32 v23, v15;
	v9 =	vadd.f32 v8, v12;
	v8 =	vmul.f32 v24, v19  }
0x145: {  	v16 =	vadd.f32 v13, v16;
	v22 =	vadd.f32 v14, v11;
	v11 =	vmul.f32 v21, v19  }
0x146: {  	v10 =	vadd.f32 v26, v10;
	v14 =	vmul.f32 v20, v18;
	v12 =	vadd.f32 v8, v17  }
0x147: {  	v13 =	vadd.f32 v28, v22;
	v15 =	vadd.f32 v15, v16;
	v8 =	vmul.f32 v31, v7  }
0x148: {  	v11 =	vadd.f32 v11, v14  }
0x149: {  	v12 =	vadd.f32 v12, v15  }
0x14a: {  	s0 =	sshra.s32 s1, $0x2;
	v11 =	vadd.f32 v11, v13  }
0x14b: {  	v9 =	vadd.f32 v9, v10;
	v45 =	vld [tilespmem:s0+$0x1B180];
	[tilespmem:s29+$0x1D180] =	vst v12  }
0x14c: {  	v12 =	vld [tilespmem:s0+$0x1B580];
	[tilespmem:s29+$0x1CD80] =	vst v11  }
0x14d: {  	v46 =	vld [tilespmem:s0+$0x1B980];
	[tilespmem:s29+$0x1C980] =	vst v9  }
0x14e: {  	v9 =	vld.idx.msk [tilespmem:v3+s12+$0x0], $0xffff  }
0x14f: {  	v47 =	vadd.s32 $0x22, v0;
	v11 =	vld.idx.msk [tilespmem:v0+s13+$0x0], $0xffff  }
0x150: {  	v48 =	vld.idx.msk [tilespmem:v0+s12+$0x0], $0xffff  }
0x151: {  	v17 =	vadd.s32 $0x21, v0;
	v16 =	vld.idx.msk [tilespmem:v3+s13+$0x0], $0xffff  }
0x152: {  	v49 =	vld.idx.msk [tilespmem:v3+s4+$0x0], $0xffff  }
0x153: {  	v18 =	vadd.s32 $0x442, v0;
	v50 =	vld.idx.msk [tilespmem:v0+s4+$0x0], $0xffff  }
0x154: {  	v21 =	vld.idx.msk [tilespmem:v47+s4+$0x0], $0xffff  }
0x155: {  	v24 =	vadd.s32 $0x441, v0;
	v23 =	vld.idx.msk [tilespmem:v47+s13+$0x0], $0xffff  }
0x156: {  	v4 =	vmul.f32 v7, v4;
	v19 =	vmul.f32 v6, v2;
	v25 =	vld.idx.msk [tilespmem:v17+s4+$0x0], $0xffff  }
0x157: {  	v52 =	vmul.f32 v6, v1;
	v53 =	vmul.f32 v5, v2;
	v26 =	vld.idx.msk [tilespmem:v17+s13+$0x0], $0xffff  }
0x158: {  	v54 =	vmul.f32 v5, v1;
	v22 =	vmul.f32 v8, v2;
	v55 =	vld.idx.msk [tilespmem:v18+s13+$0x0], $0xffff  }
0x159: {  	v51 =	vmul.f32 v8, v1;
	v14 =	vmul.f32 $3.200000000e+01, v45;
	v27 =	vld.idx.msk [tilespmem:v18+s4+$0x0], $0xffff  }
0x15a: {  	v32 =	vadd.s32 $0x462, v0;
	v20 =	vmul.f32 v4, v2;
	v4 =	vmul.f32 v4, v1;
	v29 =	vld.idx.msk [tilespmem:v24+s4+$0x0], $0xffff  }
0x15b: {  	v56 =	vadd.s32 $0x463, v0;
	v17 =	vld.idx.msk [tilespmem:v17+s12+$0x0], $0xffff;
	v28 =	vtrunc.f32 v14;
	v12 =	vmul.f32 $3.200000000e+01, v12  }
0x15c: {  	v13 =	vld.idx.msk [tilespmem:v47+s12+$0x0], $0xffff;
	v28 =	vcvt.f32.s32 v28;
	v5 =	vmul.f32 $3.200000000e+01, v46  }
0x15d: {  	v18 =	vld.idx.msk [tilespmem:v18+s12+$0x0], $0xffff;
	v11 =	vmul.f32 v19, v11;
	v9 =	vmul.f32 v52, v9  }
0x15e: {  	v61 =	vld.idx.msk [tilespmem:v24+s13+$0x0], $0xffff;
	v31 =	vtrunc.f32 v12;
	v15 =	vmul.f32 v19, v48  }
0x15f: {  	v33 =	vld.idx.msk [tilespmem:v32+s4+$0x0], $0xffff;
	v16 =	vmul.f32 v52, v16;
	v3 =	vmul.f32 v52, v49  }
0x160: {  	v35 =	vld.idx.msk [tilespmem:v56+s4+$0x0], $0xffff;
	v58 =	vmul.f32 v23, v54;
	v7 =	vmul.f32 v19, v50  }
0x161: {  	v36 =	vld.idx.msk [tilespmem:v32+s13+$0x0], $0xffff;
	v63 =	vmul.f32 v25, v53;
	v34 =	vmul.f32 v21, v54  }
0x162: {  	v38 =	vld.idx.msk [tilespmem:v56+s13+$0x0], $0xffff;
	v10 =	vmul.f32 v55, v51;
	v27 =	vmul.f32 v27, v51  }
0x163: {  	v0 =	vld.idx.msk [tilespmem:v56+s12+$0x0], $0xffff;
	v1 =	vmul.f32 v13, v54;
	v37 =	vmul.f32 v29, v22  }
0x164: {  	v40 =	vld.idx.msk [tilespmem:v32+s12+$0x0], $0xffff;
	v26 =	vmul.f32 v26, v53;
	v8 =	vmul.f32 v18, v51  }
0x165: {  	v2 =	vmul.f32 v17, v53;
	v19 =	vmul.f32 v61, v22  }
0x166: {  	v41 =	vmul.f32 v35, v4;
	v42 =	vmul.f32 v33, v20  }
0x167: {  	v43 =	vmul.f32 v36, v20;
	v44 =	vmul.f32 v38, v4  }
0x168: {  	v59 =	vld.idx.msk [tilespmem:v24+s12+$0x0], $0xffff;
	v0 =	vmul.f32 v0, v4;
	v57 =	vadd.f32 v9, v15;
	v11 =	vadd.f32 v16, v11  }
0x169: {  	v45 =	vmul.f32 v40, v20;
	v3 =	vadd.f32 v3, v7;
	v7 =	vadd.f32 v34, v63  }
0x16a: {  	v30 =	vtrunc.f32 v5;
	v39 =	vadd.f32 v27, v37;
	v9 =	vadd.f32 v58, v26  }
0x16b: {  	v31 =	vcvt.f32.s32 v31;
	v1 =	vadd.f32 v1, v2;
	v10 =	vadd.f32 v10, v19  }
0x16c: {  	v60 =	vcvt.f32.s32 v30;
	v2 =	vadd.f32 v44, v43;
	v11 =	vadd.f32 $0.0e+00, v11  }
0x16d: {  	v15 =	vmul.f32 v59, v22;
	v0 =	vadd.f32 v0, v45;
	v6 =	vadd.f32 $0.0e+00, v57  }
0x16e: {  	v62 =	vmul.u32 $0x21, v31;
	v3 =	vadd.f32 $0.0e+00, v3;
	v9 =	vadd.f32 v9, v11  }
0x16f: {  	v30 =	vmul.u32 $0x441, v60;
	v8 =	vadd.f32 v8, v15;
	v1 =	vadd.f32 v1, v6  }
0x170: {  	v46 =	vadd.s32 v28, v62;
	v3 =	vadd.f32 v7, v3;
	v9 =	vadd.f32 v10, v9  }
0x171: {  	v7 =	vadd.f32 v41, v42;
	v6 =	vadd.s32 v30, v46;
	v1 =	vadd.f32 v8, v1  }
0x172: {  	v47 =	vadd.s32 $0x1, v6;
	v3 =	vadd.f32 v39, v3;
	v2 =	vadd.f32 v2, v9  }
0x173: {  	v0 =	vadd.f32 v0, v1  }
0x174: {  	v48 =	vadd.f32 v7, v3;
	[tilespmem:s28+$0x1D180] =	vst v2  }
0x175: {  	[tilespmem:s28+$0x1CD80] =	vst v0  }
0x176: {  	[tilespmem:s28+$0x1C980] =	vst v48  }
0x177: {  	v0 =	vld.idx.msk [tilespmem:v47+s12+$0x0], $0xffff  }
0x178: {  	v52 =	vcvt.s32.f32 v60;
	v49 =	vadd.s32 $0x22, v6;
	v1 =	vld.idx.msk [tilespmem:v6+s13+$0x0], $0xffff  }
0x179: {  	v51 =	vcvt.s32.f32 v31;
	v50 =	vld.idx.msk [tilespmem:v6+s12+$0x0], $0xffff  }
0x17a: {  	v55 =	vcvt.s32.f32 v28;
	v5 =	vsub.f32 v5, v52;
	v54 =	vadd.s32 $0x21, v6;
	v53 =	vld.idx.msk [tilespmem:v47+s13+$0x0], $0xffff  }
0x17b: {  	v7 =	vsub.f32 v12, v51;
	v4 =	vld.idx.msk [tilespmem:v47+s4+$0x0], $0xffff  }
0x17c: {  	v11 =	vsub.f32 v14, v55;
	v57 =	vadd.s32 $0x442, v6;
	v60 =	vsub.f32 $1.000000000e+00, v5;
	v56 =	vld.idx.msk [tilespmem:v6+s4+$0x0], $0xffff  }
0x17d: {  	v62 =	vadd.s32 $0x441, v6;
	v59 =	vsub.f32 $1.000000000e+00, v7;
	v58 =	vld.idx.msk [tilespmem:v49+s4+$0x0], $0xffff  }
0x17e: {  	v30 =	vsub.f32 $1.000000000e+00, v11;
	v32 =	vmul.f32 v5, v7;
	v7 =	vmul.f32 v60, v7;
	v61 =	vld.idx.msk [tilespmem:v49+s13+$0x0], $0xffff  }
0x17f: {  	v63 =	vld.idx.msk [tilespmem:v54+s4+$0x0], $0xffff;
	v31 =	vmul.f32 v60, v59;
	v5 =	vmul.f32 v59, v5  }
0x180: {  	v33 =	vld.idx.msk [tilespmem:v54+s13+$0x0], $0xffff;
	v36 =	vmul.f32 v32, v30;
	v21 =	vmul.f32 v32, v11  }
0x181: {  	v34 =	vld.idx.msk [tilespmem:v57+s13+$0x0], $0xffff;
	v19 =	vmul.f32 v7, v30;
	v7 =	vmul.f32 v7, v11  }
0x182: {  	v37 =	vld.idx.msk [tilespmem:v57+s4+$0x0], $0xffff;
	v35 =	vmul.f32 v31, v30;
	v20 =	vmul.f32 v31, v11  }
0x183: {  	v39 =	vld.idx.msk [tilespmem:v62+s4+$0x0], $0xffff;
	v38 =	vmul.f32 v5, v30;
	v5 =	vmul.f32 v5, v11  }
0x184: {  	v40 =	vadd.s32 $0x462, v6;
	v2 =	vld.idx.msk [tilespmem:v49+s12+$0x0], $0xffff;
	v0 =	vmul.f32 v20, v0;
	v3 =	vmul.f32 v35, v50  }
0x185: {  	v41 =	vld.idx.msk [tilespmem:v57+s12+$0x0], $0xffff;
	v1 =	vmul.f32 v35, v1;
	v9 =	vmul.f32 v20, v53  }
0x186: {  	v42 =	vld.idx.msk [tilespmem:v62+s12+$0x0], $0xffff;
	v4 =	vmul.f32 v20, v4;
	v43 =	vmul.f32 v35, v56  }
0x187: {  	v10 =	vld.idx.msk [tilespmem:v54+s12+$0x0], $0xffff;
	v6 =	vadd.s32 $0x463, v6;
	v45 =	vmul.f32 v61, v7;
	v46 =	vmul.f32 v63, v19  }
0x188: {  	v44 =	vld.idx.msk [tilespmem:v62+s13+$0x0], $0xffff;
	v48 =	vmul.f32 v58, v7;
	v49 =	vmul.f32 v34, v5  }
0x189: {  	v47 =	vld.idx.msk [tilespmem:v40+s4+$0x0], $0xffff;
	v51 =	vmul.f32 v37, v5;
	v2 =	vmul.f32 v2, v7  }
0x18a: {  	v52 =	vld.idx.msk [tilespmem:v40+s13+$0x0], $0xffff;
	v53 =	vmul.f32 v39, v38;
	v54 =	vmul.f32 v33, v19  }
0x18b: {  	v57 =	vld.idx.msk [tilespmem:v40+s12+$0x0], $0xffff;
	v12 =	vmul.f32 v42, v38;
	v5 =	vmul.f32 v41, v5  }
0x18c: {  	v50 =	vld.idx.msk [tilespmem:v6+s4+$0x0], $0xffff;
	v10 =	vmul.f32 v10, v19;
	v0 =	vadd.f32 v0, v3;
	v1 =	vadd.f32 v9, v1  }
0x18d: {  	v55 =	vld.idx.msk [tilespmem:v6+s13+$0x0], $0xffff;
	v8 =	vmul.f32 v44, v38;
	v3 =	vadd.f32 v4, v43;
	v4 =	vadd.f32 v48, v46  }
0x18e: {  	v6 =	vld.idx.msk [tilespmem:v6+s12+$0x0], $0xffff;
	v59 =	vmul.f32 v47, v36;
	v56 =	vadd.f32 v51, v53;
	v5 =	vadd.f32 v5, v12  }
0x18f: {  	v7 =	vmul.f32 v52, v36;
	v9 =	vadd.f32 v45, v54;
	v2 =	vadd.f32 v2, v10  }
0x190: {  	v62 =	vmul.f32 v57, v36;
	v3 =	vadd.f32 $0.0e+00, v3;
	v1 =	vadd.f32 $0.0e+00, v1  }
0x191: {  	v8 =	vadd.f32 v49, v8;
	v0 =	vadd.f32 $0.0e+00, v0;
	v58 =	vmul.f32 v50, v21  }
0x192: {  	v60 =	vmul.f32 v55, v21;
	v3 =	vadd.f32 v4, v3;
	v1 =	vadd.f32 v9, v1  }
0x193: {  	v61 =	vmul.f32 v6, v21;
	v0 =	vadd.f32 v2, v0;
	v4 =	vadd.f32 v58, v59  }
0x194: {  	v7 =	vadd.f32 v60, v7;
	v1 =	vadd.f32 v8, v1  }
0x195: {  	s25 =	sadd.s32 $0x1, s25;
	v2 =	vadd.f32 v61, v62;
	v0 =	vadd.f32 v5, v0  }
0x196: {  	p0 =	sne.s32 s25, $0x20;
	v3 =	vadd.f32 v56, v3;
	v1 =	vadd.f32 v7, v1  }
.Ltmp5:
0x197: {  	v0 =	vadd.f32 v2, v0;
	(pc) =	sbr.rel @p0 .LBB2_2-.Ltmp5, $4  }
0x198: {  	v63 =	vadd.f32 v4, v3;
	[tilespmem:s0+$0x1D180] =	vst v1  }
0x199: {  	[tilespmem:s0+$0x1CD80] =	vst v0  }
0x19a: {  	s31 =	sadd.s32 s3, s26;
	[tilespmem:s0+$0x1C980] =	vst v63  }
0x19b: {  	[hbm4b:s31+s14] =	stream.strided.scatter [tilespmem:s22], [sflag:$0x4], $0xC00, s15, s14, $0x38;
	[tilespmem:$0x1D580] =	vst v63  }
0x19c: {  	s24 =	sadd.s32 $0x1, s24  }
0x19d: {  	_ =	swait.ge [sflag:s23], $0xC00;
	p0 =	sne.s32 s24, s10  }
.Ltmp6:
0x19e: {  	[sflag:s23] =	ssyncset.done $0x0;
	(pc) =	sbr.rel @p0 .LBB2_1-.Ltmp6, $4  }
0x19f: {  	[sflag:s23] =	ssyncadd.s32 $0xFFFFF400  }
0x1a0: {  	_ =	swait.ge [sflag:s21], $0xC00  }
0x1a1: {  	[sflag:s21] =	ssyncset.done $0x0  }
0x1a2: {  	[sflag:s21] =	ssyncadd.s32 $0xFFFFF400  }
0x1a3: {  	_ =	sfence.sel $0x180000  }
0x1a4: {  	[bflag:$0x0] =	sbarrier.arrive $0xFFFF  }
0x1a5: {  	_ =	strace $0x90000047  }
0x1a6: {  	s0 =	stileid.u32;
	[bflag:$0x2] =	sbarrier.arrive $0xFFFF  }
0x1a7: {  	p0 =	sne.s32 s0, $0x0;
	s0 =	rddreg [dreg:$0x3]  }
0x1a8: {  	s0 =	sadd.s32 @!p0 $0x100000, s0  }
0x1a9: {  	[sflag:s0] =	ssyncadd.tile.s32 @!p0 $0x1;
	_ =	shalt  }
.Lfunc_end2:
_tile_overlayer_lowered:
.L_overlay_start_2:
0x1aa: {  	(tag) =	ssettag $0x2  }
0x1ab: {  	s0 =	rddreg [dreg:$0x0];
	s2 =	stileid.u32  }
0x1ac: {  	s1 =	rddreg [dreg:$0x1];
	p0 =	sne.s32 s2, $0x0  }
0x1ad: {  	s3 =	rddreg [dreg:$0x2];
	[bflag:$0x3] =	sbarrier.arrive $0xFFFF;
	s2 =	simm.s32 @!p0 $0x1C05  }
0x1ae: {  	[timem:s3], [sflag:s2] =	dma.local @!p0 [hbm:s0], s1  }
0x1af: {  	s0 =	simm.s32 @!p0 $0x5  }
0x1b0: {  	_ =	swait.ge @!p0 [sflag:s0], s1  }
0x1b1: {  	s1 =	ssub.s32 @!p0 $0x0, s1;
	[sflag:s0] =	ssyncset.done @!p0 $0x0  }
0x1b2: {  	[sflag:s0] =	ssyncadd.s32 @!p0 s1  }
0x1b3: {  	[bflag:$0x3] =	sbarrier.arrive $0xFFFF  }
0x1b4: {  	_ =	shalt  }

</sc_bundles>
